<compile_context>
chip_gen: v7x
topology: tpu7x:2x2x1
jax: 0.10.2.dev20260603
libtpu: 0.0.44.dev20260713+nightly
codegen_flags: <defaults>
</compile_context>

<pallas_src>
import functools

import jax
import jax.numpy as jnp
from jax import lax
from jax.experimental import pallas as pl
from jax.experimental.pallas import tpu as pltpu
from jax.experimental.pallas import tpu_sc as plsc

NC = 2
NS = 16
CH = 80
CNTW = 16
DH = 64


def _sc_pass_body(NP, NCH, refs):
    (t_h, src_h, dst_h, zacc_h, zcnt_h, ones_h,
     acc_out, cnt_out, sidx, didx, rows, onesv, acc_s, cnt_s) = refs

    c = lax.axis_index("c")
    s = lax.axis_index("s")
    rpw = NP // NS
    rbase = s * rpw

    pltpu.sync_copy(zacc_h.at[pl.ds(rbase, rpw)], acc_s.at[pl.ds(rbase, rpw)])
    pltpu.sync_copy(zcnt_h.at[pl.ds(rbase, rpw)], cnt_s.at[pl.ds(rbase, rpw)])
    pltpu.sync_copy(ones_h, onesv)
    pltpu.sync_copy(src_h.at[s], sidx)
    pltpu.sync_copy(dst_h.at[s], didx)
    plsc.subcore_barrier()

    @pl.loop(0, NCH)
    def _(j):
        pltpu.sync_copy(t_h.at[c].at[sidx.at[j]], rows)
        pltpu.sync_copy(rows, acc_s.at[didx.at[j]], add=True)
        pltpu.sync_copy(onesv, cnt_s.at[didx.at[j]], add=True)

    plsc.subcore_barrier()
    pltpu.sync_copy(acc_s.at[pl.ds(rbase, rpw)], acc_out.at[c, pl.ds(rbase, rpw)])
    pltpu.sync_copy(cnt_s.at[pl.ds(rbase, rpw)], cnt_out.at[c, pl.ds(rbase, rpw)])


def _make_sc_pass(NP, E):
    EPC = E // NS
    NCH = EPC // CH
    mesh = plsc.VectorSubcoreMesh(core_axis_name="c", subcore_axis_name="s")
    out_type = [
        jax.ShapeDtypeStruct((NC, NP, DH), jnp.float32),
        jax.ShapeDtypeStruct((NC, NP, CNTW), jnp.float32),
    ]
    scratch = [
        pltpu.VMEM((NCH, CH), jnp.int32),
        pltpu.VMEM((NCH, CH), jnp.int32),
        pltpu.VMEM((CH, DH), jnp.float32),
        pltpu.VMEM((CH, CNTW), jnp.float32),
        pltpu.VMEM_SHARED((NP, DH), jnp.float32),
        pltpu.VMEM_SHARED((NP, CNTW), jnp.float32),
    ]

    def body(*refs):
        _sc_pass_body(NP, NCH, refs)

    return pl.kernel(body, out_type=out_type, mesh=mesh, scratch_types=scratch,
                     compiler_params=pltpu.CompilerParams(use_tc_tiling_on_sc=False))


def _combine_body(acc_ref, cnt_ref, t_ref, wl_ref, wr_ref, b_ref, o_ref, *,
                  relu, split_out):
    s = jnp.concatenate([acc_ref[0], acc_ref[1]], axis=1)
    t = jnp.concatenate([t_ref[0], t_ref[1]], axis=1)
    c = cnt_ref[0, :, 0:1]
    agg = s / jnp.maximum(c, 1.0)
    r = (jnp.dot(agg, wl_ref[...], preferred_element_type=jnp.float32)
         + jnp.dot(t, wr_ref[...], preferred_element_type=jnp.float32)
         + b_ref[...])
    if relu:
        r = jnp.maximum(r, 0.0)
    if split_out:
        o_ref[0] = r[:, :DH]
        o_ref[1] = r[:, DH:]
    else:
        o_ref[...] = r


def _make_combine(relu, split_out, N, NP, D, BN=1000):
    grid = (N // BN,)
    if split_out:
        out_spec = pl.BlockSpec((NC, BN, DH), lambda i: (0, i, 0))
        out_shape = jax.ShapeDtypeStruct((NC, N, DH), jnp.float32)
    else:
        out_spec = pl.BlockSpec((BN, D), lambda i: (i, 0))
        out_shape = jax.ShapeDtypeStruct((N, D), jnp.float32)
    return pl.pallas_call(
        functools.partial(_combine_body, relu=relu, split_out=split_out),
        grid=grid,
        in_specs=[
            pl.BlockSpec((NC, BN, DH), lambda i: (0, i, 0)),
            pl.BlockSpec((1, BN, CNTW), lambda i: (0, i, 0)),
            pl.BlockSpec((NC, BN, DH), lambda i: (0, i, 0)),
            pl.BlockSpec((D, D), lambda i: (0, 0)),
            pl.BlockSpec((D, D), lambda i: (0, 0)),
            pl.BlockSpec((1, D), lambda i: (0, 0)),
        ],
        out_specs=out_spec,
        out_shape=out_shape,
    )


def kernel(x, edge_index, W1l, W1r, b1, W2l, W2r, b2):
    N, D = x.shape
    E = edge_index.shape[1]
    NP = ((N + 8 * NS - 1) // (8 * NS)) * (8 * NS)
    EPC = E // NS
    NCH = EPC // CH
    src = edge_index[0].reshape(NS, NCH, CH)
    dst = edge_index[1].reshape(NS, NCH, CH)
    zacc = jnp.zeros((NP, DH), jnp.float32)
    zcnt = jnp.zeros((NP, CNTW), jnp.float32)
    ones = jnp.ones((CH, CNTW), jnp.float32)
    x2 = jnp.stack([x[:, :DH], x[:, DH:]], axis=0)

    sc = _make_sc_pass(NP, E)
    comb1 = _make_combine(True, True, N, NP, D)
    comb2 = _make_combine(False, False, N, NP, D)

    acc1, cnt1 = sc(x2, src, dst, zacc, zcnt, ones)
    h2 = comb1(acc1, cnt1[:1], x2, W1l, W1r, b1.reshape(1, D))
    acc2, _ = sc(h2, src, dst, zacc, zcnt, ones)
    out = comb2(acc2, cnt1[:1], h2, W2l, W2r, b2.reshape(1, D))
    return out

# --- scband reference (transcript-rebuilt; emitter-appended) ---
"""Pipeline reference for scband-graph-sage-17678085391128 (READ-ONLY COPY).

The authoritative reference and input builder live on the scoring server;
editing this copy changes nothing except your own understanding.
"""

import jax, jax.numpy as jnp
import numpy as np

N = 10000
E = 320000
D_IN = 128
D_HID = 128
D_OUT = 128


def setup_inputs(seed: int = 0) -> dict:
    key = jax.random.key(seed)
    ks = jax.random.split(key, 10)
    x = jax.random.normal(ks[0], (N, D_IN), dtype=jnp.float32)
    edge_index = jax.random.randint(ks[1], (2, E), 0, N, dtype=jnp.int32)
    s1 = 1.0 / np.sqrt(D_IN)
    s2 = 1.0 / np.sqrt(D_HID)
    W1l = jax.random.uniform(ks[2], (D_IN, D_HID), jnp.float32, -s1, s1)
    W1r = jax.random.uniform(ks[3], (D_IN, D_HID), jnp.float32, -s1, s1)
    b1 = jax.random.uniform(ks[4], (D_HID,), jnp.float32, -s1, s1)
    W2l = jax.random.uniform(ks[5], (D_HID, D_OUT), jnp.float32, -s2, s2)
    W2r = jax.random.uniform(ks[6], (D_HID, D_OUT), jnp.float32, -s2, s2)
    b2 = jax.random.uniform(ks[7], (D_OUT,), jnp.float32, -s2, s2)
    return {"x": x, "edge_index": edge_index, "W1l": W1l, "W1r": W1r, "b1": b1, "W2l": W2l, "W2r": W2r, "b2": b2}


def _sage_conv(x, src, dst, Wl, Wr, b):
    # PyG-style SAGEConv with mean aggregation:
    # out = lin_l(mean_{j in N(i)} x_j) + lin_r(x_i)
    msg = jnp.take(x, src, axis=0)
    agg = jax.ops.segment_sum(msg, dst, num_segments=x.shape[0])
    cnt = jax.ops.segment_sum(jnp.ones((src.shape[0],), x.dtype), dst, num_segments=x.shape[0])
    agg = agg / jnp.maximum(cnt, 1.0)[:, None]
    return agg @ Wl + x @ Wr + b


def reference(x, edge_index, W1l, W1r, b1, W2l, W2r, b2):
    src = edge_index[0]
    dst = edge_index[1]
    # layer 1 (+ relu; dropout is identity in eval mode)
    h = _sage_conv(x, src, dst, W1l, W1r, b1)
    h = jax.nn.relu(h)
    # layer 2 (final conv, no activation)
    out = _sage_conv(h, src, dst, W2l, W2r, b2)
    return out

if __name__ == "__main__":
    import jax
    _d = setup_inputs()
    print(jax.jit(kernel)(*tuple(_d.values())))

</pallas_src>

<mosaic_0001>
#map = affine_map<(d0, d1) -> (0, 0, 0)>
#map1 = affine_map<(d0, d1) -> (0, 0)>
module attributes {stable_mosaic.version = 14 : i64} {
  func.func @body(%arg0: i32, %arg1: i32, %arg2: memref<2x10000x64xf32, #tpu.memory_space<hbm>>, %arg3: memref<16x250x80xi32, #tpu.memory_space<hbm>>, %arg4: memref<16x250x80xi32, #tpu.memory_space<hbm>>, %arg5: memref<10112x64xf32, #tpu.memory_space<hbm>>, %arg6: memref<10112x16xf32, #tpu.memory_space<hbm>>, %arg7: memref<80x16xf32, #tpu.memory_space<hbm>>, %arg8: memref<2x10112x64xf32, #tpu.memory_space<hbm>>, %arg9: memref<2x10112x16xf32, #tpu.memory_space<hbm>>, %arg10: memref<250x80xi32, #tpu.memory_space<vmem>>, %arg11: memref<250x80xi32, #tpu.memory_space<vmem>>, %arg12: memref<80x64xf32, #tpu.memory_space<vmem>>, %arg13: memref<80x16xf32, #tpu.memory_space<vmem>>, %arg14: memref<10112x64xf32, #tpu.memory_space<vmem_shared>>, %arg15: memref<10112x16xf32, #tpu.memory_space<vmem_shared>>) attributes {dimension_semantics = [#tpu.dimension_semantics<core_parallel>, #tpu.dimension_semantics<subcore_parallel>], iteration_bounds = array<i64: 2, 16>, scalar_prefetch = 0 : i64, scratch_operands = 6 : i64, tpu.core_type = #tpu.core_type<sc_vector_subcore>, window_params = [{transform_indices = #map}, {transform_indices = #map}, {transform_indices = #map}, {transform_indices = #map1}, {transform_indices = #map1}, {transform_indices = #map1}, {transform_indices = #map}, {transform_indices = #map}]} {
    %mul3A = arith.constant 632 : i32
    %mul3A_0 = arith.muli %arg1, %mul3A : i32
    "tpu.region"() ({
      %run_scoped3A = tpu.sem_alloc : memref<!tpu.dma_semaphore, #tpu.memory_space<semaphore_mem>>
      %dma_start3A = arith.constant 0 : i32
      %dma_start3A_6 = tpu.memref_slice %arg14[%mul3A_0, %dma_start3A] : memref<10112x64xf32, #tpu.memory_space<vmem_shared>> -> memref<632x64xf32, #tpu.memory_space<vmem_shared>>
      %dma_start3A_7 = arith.constant 0 : i32
      %dma_start3A_8 = tpu.memref_slice %arg5[%mul3A_0, %dma_start3A_7] : memref<10112x64xf32, #tpu.memory_space<hbm>> -> memref<632x64xf32, #tpu.memory_space<hbm>>
      tpu.enqueue_dma source(%dma_start3A_8 : memref<632x64xf32, #tpu.memory_space<hbm>>) target(%dma_start3A_6 : memref<632x64xf32, #tpu.memory_space<vmem_shared>>) target_semaphore(%run_scoped3A : memref<!tpu.dma_semaphore, #tpu.memory_space<semaphore_mem>>)
      %dma_wait3A = arith.constant 0 : i32
      %dma_wait3A_9 = tpu.memref_slice %arg14[%mul3A_0, %dma_wait3A] : memref<10112x64xf32, #tpu.memory_space<vmem_shared>> -> memref<632x64xf32, #tpu.memory_space<vmem_shared>>
      %dma_wait3A_10 = arith.constant 0 : i32
      %dma_wait3A_11 = tpu.memref_slice %arg5[%mul3A_0, %dma_wait3A_10] : memref<10112x64xf32, #tpu.memory_space<hbm>> -> memref<632x64xf32, #tpu.memory_space<hbm>>
      tpu.wait_dma2 semaphore(%run_scoped3A : memref<!tpu.dma_semaphore, #tpu.memory_space<semaphore_mem>>) src(%dma_wait3A_11 : memref<632x64xf32, #tpu.memory_space<hbm>>) dst(%dma_wait3A_9 : memref<632x64xf32, #tpu.memory_space<vmem_shared>>)
      tpu.yield
    }) : () -> ()
    "tpu.region"() ({
      %run_scoped3A = tpu.sem_alloc : memref<!tpu.dma_semaphore, #tpu.memory_space<semaphore_mem>>
      %dma_start3A = arith.constant 0 : i32
      %dma_start3A_6 = tpu.memref_slice %arg15[%mul3A_0, %dma_start3A] : memref<10112x16xf32, #tpu.memory_space<vmem_shared>> -> memref<632x16xf32, #tpu.memory_space<vmem_shared>>
      %dma_start3A_7 = arith.constant 0 : i32
      %dma_start3A_8 = tpu.memref_slice %arg6[%mul3A_0, %dma_start3A_7] : memref<10112x16xf32, #tpu.memory_space<hbm>> -> memref<632x16xf32, #tpu.memory_space<hbm>>
      tpu.enqueue_dma source(%dma_start3A_8 : memref<632x16xf32, #tpu.memory_space<hbm>>) target(%dma_start3A_6 : memref<632x16xf32, #tpu.memory_space<vmem_shared>>) target_semaphore(%run_scoped3A : memref<!tpu.dma_semaphore, #tpu.memory_space<semaphore_mem>>)
      %dma_wait3A = arith.constant 0 : i32
      %dma_wait3A_9 = tpu.memref_slice %arg15[%mul3A_0, %dma_wait3A] : memref<10112x16xf32, #tpu.memory_space<vmem_shared>> -> memref<632x16xf32, #tpu.memory_space<vmem_shared>>
      %dma_wait3A_10 = arith.constant 0 : i32
      %dma_wait3A_11 = tpu.memref_slice %arg6[%mul3A_0, %dma_wait3A_10] : memref<10112x16xf32, #tpu.memory_space<hbm>> -> memref<632x16xf32, #tpu.memory_space<hbm>>
      tpu.wait_dma2 semaphore(%run_scoped3A : memref<!tpu.dma_semaphore, #tpu.memory_space<semaphore_mem>>) src(%dma_wait3A_11 : memref<632x16xf32, #tpu.memory_space<hbm>>) dst(%dma_wait3A_9 : memref<632x16xf32, #tpu.memory_space<vmem_shared>>)
      tpu.yield
    }) : () -> ()
    "tpu.region"() ({
      %run_scoped3A = tpu.sem_alloc : memref<!tpu.dma_semaphore, #tpu.memory_space<semaphore_mem>>
      tpu.enqueue_dma source(%arg7 : memref<80x16xf32, #tpu.memory_space<hbm>>) target(%arg13 : memref<80x16xf32, #tpu.memory_space<vmem>>) target_semaphore(%run_scoped3A : memref<!tpu.dma_semaphore, #tpu.memory_space<semaphore_mem>>)
      tpu.wait_dma2 semaphore(%run_scoped3A : memref<!tpu.dma_semaphore, #tpu.memory_space<semaphore_mem>>) src(%arg7 : memref<80x16xf32, #tpu.memory_space<hbm>>) dst(%arg13 : memref<80x16xf32, #tpu.memory_space<vmem>>)
      tpu.yield
    }) : () -> ()
    "tpu.region"() ({
      %run_scoped3A = tpu.sem_alloc : memref<!tpu.dma_semaphore, #tpu.memory_space<semaphore_mem>>
      %dma_start3A = arith.constant 0 : i32
      %dma_start3A_6 = arith.constant 0 : i32
      %dma_start3A_7 = tpu.memref_slice %arg3[%arg1, %dma_start3A, %dma_start3A_6] : memref<16x250x80xi32, #tpu.memory_space<hbm>> -> memref<1x250x80xi32, #tpu.memory_space<hbm>>
      %dma_start3A_8 = tpu.memref_squeeze %dma_start3A_7 : memref<1x250x80xi32, #tpu.memory_space<hbm>> -> memref<250x80xi32, #tpu.memory_space<hbm>>
      %dma_start3A_9 = arith.constant 0 : i32
      %dma_start3A_10 = arith.constant 0 : i32
      %dma_start3A_11 = tpu.memref_slice %arg3[%arg1, %dma_start3A_9, %dma_start3A_10] : memref<16x250x80xi32, #tpu.memory_space<hbm>> -> memref<1x250x80xi32, #tpu.memory_space<hbm>>
      %dma_start3A_12 = tpu.memref_squeeze %dma_start3A_11 : memref<1x250x80xi32, #tpu.memory_space<hbm>> -> memref<250x80xi32, #tpu.memory_space<hbm>>
      tpu.enqueue_dma source(%dma_start3A_12 : memref<250x80xi32, #tpu.memory_space<hbm>>) target(%arg10 : memref<250x80xi32, #tpu.memory_space<vmem>>) target_semaphore(%run_scoped3A : memref<!tpu.dma_semaphore, #tpu.memory_space<semaphore_mem>>)
      %dma_wait3A = arith.constant 0 : i32
      %dma_wait3A_13 = arith.constant 0 : i32
      %dma_wait3A_14 = tpu.memref_slice %arg3[%arg1, %dma_wait3A, %dma_wait3A_13] : memref<16x250x80xi32, #tpu.memory_space<hbm>> -> memref<1x250x80xi32, #tpu.memory_space<hbm>>
      %dma_wait3A_15 = tpu.memref_squeeze %dma_wait3A_14 : memref<1x250x80xi32, #tpu.memory_space<hbm>> -> memref<250x80xi32, #tpu.memory_space<hbm>>
      %dma_wait3A_16 = arith.constant 0 : i32
      %dma_wait3A_17 = arith.constant 0 : i32
      %dma_wait3A_18 = tpu.memref_slice %arg3[%arg1, %dma_wait3A_16, %dma_wait3A_17] : memref<16x250x80xi32, #tpu.memory_space<hbm>> -> memref<1x250x80xi32, #tpu.memory_space<hbm>>
      %dma_wait3A_19 = tpu.memref_squeeze %dma_wait3A_18 : memref<1x250x80xi32, #tpu.memory_space<hbm>> -> memref<250x80xi32, #tpu.memory_space<hbm>>
      tpu.wait_dma2 semaphore(%run_scoped3A : memref<!tpu.dma_semaphore, #tpu.memory_space<semaphore_mem>>) src(%dma_wait3A_19 : memref<250x80xi32, #tpu.memory_space<hbm>>) dst(%arg10 : memref<250x80xi32, #tpu.memory_space<vmem>>)
      tpu.yield
    }) : () -> ()
    "tpu.region"() ({
      %run_scoped3A = tpu.sem_alloc : memref<!tpu.dma_semaphore, #tpu.memory_space<semaphore_mem>>
      %dma_start3A = arith.constant 0 : i32
      %dma_start3A_6 = arith.constant 0 : i32
      %dma_start3A_7 = tpu.memref_slice %arg4[%arg1, %dma_start3A, %dma_start3A_6] : memref<16x250x80xi32, #tpu.memory_space<hbm>> -> memref<1x250x80xi32, #tpu.memory_space<hbm>>
      %dma_start3A_8 = tpu.memref_squeeze %dma_start3A_7 : memref<1x250x80xi32, #tpu.memory_space<hbm>> -> memref<250x80xi32, #tpu.memory_space<hbm>>
      %dma_start3A_9 = arith.constant 0 : i32
      %dma_start3A_10 = arith.constant 0 : i32
      %dma_start3A_11 = tpu.memref_slice %arg4[%arg1, %dma_start3A_9, %dma_start3A_10] : memref<16x250x80xi32, #tpu.memory_space<hbm>> -> memref<1x250x80xi32, #tpu.memory_space<hbm>>
      %dma_start3A_12 = tpu.memref_squeeze %dma_start3A_11 : memref<1x250x80xi32, #tpu.memory_space<hbm>> -> memref<250x80xi32, #tpu.memory_space<hbm>>
      tpu.enqueue_dma source(%dma_start3A_12 : memref<250x80xi32, #tpu.memory_space<hbm>>) target(%arg11 : memref<250x80xi32, #tpu.memory_space<vmem>>) target_semaphore(%run_scoped3A : memref<!tpu.dma_semaphore, #tpu.memory_space<semaphore_mem>>)
      %dma_wait3A = arith.constant 0 : i32
      %dma_wait3A_13 = arith.constant 0 : i32
      %dma_wait3A_14 = tpu.memref_slice %arg4[%arg1, %dma_wait3A, %dma_wait3A_13] : memref<16x250x80xi32, #tpu.memory_space<hbm>> -> memref<1x250x80xi32, #tpu.memory_space<hbm>>
      %dma_wait3A_15 = tpu.memref_squeeze %dma_wait3A_14 : memref<1x250x80xi32, #tpu.memory_space<hbm>> -> memref<250x80xi32, #tpu.memory_space<hbm>>
      %dma_wait3A_16 = arith.constant 0 : i32
      %dma_wait3A_17 = arith.constant 0 : i32
      %dma_wait3A_18 = tpu.memref_slice %arg4[%arg1, %dma_wait3A_16, %dma_wait3A_17] : memref<16x250x80xi32, #tpu.memory_space<hbm>> -> memref<1x250x80xi32, #tpu.memory_space<hbm>>
      %dma_wait3A_19 = tpu.memref_squeeze %dma_wait3A_18 : memref<1x250x80xi32, #tpu.memory_space<hbm>> -> memref<250x80xi32, #tpu.memory_space<hbm>>
      tpu.wait_dma2 semaphore(%run_scoped3A : memref<!tpu.dma_semaphore, #tpu.memory_space<semaphore_mem>>) src(%dma_wait3A_19 : memref<250x80xi32, #tpu.memory_space<hbm>>) dst(%arg11 : memref<250x80xi32, #tpu.memory_space<vmem>>)
      tpu.yield
    }) : () -> ()
    %barrier3A = arith.constant 0 : index
    tpu.barrier barrier_id(%barrier3A)
    %scan3A = arith.constant 0 : i32
    %scan3A_1 = arith.constant 250 : i32
    %scan3A_2 = arith.addi %scan3A, %scan3A_1 : i32
    %scan3A_3 = arith.constant 1 : i32
    scf.for %scan3A_6 = %scan3A to %scan3A_2 step %scan3A_3  : i32 {
      %mul3A_7 = arith.constant 1 : i32
      %mul3A_8 = arith.muli %scan3A_6, %mul3A_7 : i32
      %add3A = arith.constant 0 : i32
      %add3A_9 = arith.addi %add3A, %mul3A_8 : i32
      "tpu.region"() ({
        %run_scoped3A = tpu.sem_alloc : memref<!tpu.dma_semaphore, #tpu.memory_space<semaphore_mem>>
        %dma_start3A = arith.constant 0 : i32
        %dma_start3A_10 = tpu.memref_slice %arg10[%add3A_9, %dma_start3A] : memref<250x80xi32, #tpu.memory_space<vmem>> -> memref<1x80xi32, #tpu.memory_space<vmem>>
        %dma_start3A_11 = tpu.memref_squeeze %dma_start3A_10 : memref<1x80xi32, #tpu.memory_space<vmem>> -> memref<80xi32, #tpu.memory_space<vmem>>
        %dma_start3A_12 = arith.constant 0 : i32
        %dma_start3A_13 = arith.constant 0 : i32
        %dma_start3A_14 = tpu.memref_slice %arg2[%arg0, %dma_start3A_12, %dma_start3A_13] : memref<2x10000x64xf32, #tpu.memory_space<hbm>> -> memref<1x10000x64xf32, #tpu.memory_space<hbm>>
        %dma_start3A_15 = tpu.memref_squeeze %dma_start3A_14 : memref<1x10000x64xf32, #tpu.memory_space<hbm>> -> memref<10000x64xf32, #tpu.memory_space<hbm>>
        %dma_start3A_16 = arith.constant 0 : i32
        %dma_start3A_17 = arith.constant 0 : i32
        %dma_start3A_18 = tpu.memref_slice %dma_start3A_15[%dma_start3A_16, %dma_start3A_17] : memref<10000x64xf32, #tpu.memory_space<hbm>> -> memref<10000x64xf32, #tpu.memory_space<hbm>>
        tpu.enqueue_indirect_dma source(%dma_start3A_18 : memref<10000x64xf32, #tpu.memory_space<hbm>>) target(%arg12 : memref<80x64xf32, #tpu.memory_space<vmem>>) offsets(%dma_start3A_11 : memref<80xi32, #tpu.memory_space<vmem>>) semaphore(%run_scoped3A : memref<!tpu.dma_semaphore, #tpu.memory_space<semaphore_mem>>)
        %dma_wait3A = arith.constant 0 : i32
        %dma_wait3A_19 = tpu.memref_slice %arg10[%add3A_9, %dma_wait3A] : memref<250x80xi32, #tpu.memory_space<vmem>> -> memref<1x80xi32, #tpu.memory_space<vmem>>
        %dma_wait3A_20 = tpu.memref_squeeze %dma_wait3A_19 : memref<1x80xi32, #tpu.memory_space<vmem>> -> memref<80xi32, #tpu.memory_space<vmem>>
        %dma_wait3A_21 = arith.constant 0 : i32
        %dma_wait3A_22 = arith.constant 0 : i32
        %dma_wait3A_23 = tpu.memref_slice %arg2[%arg0, %dma_wait3A_21, %dma_wait3A_22] : memref<2x10000x64xf32, #tpu.memory_space<hbm>> -> memref<1x10000x64xf32, #tpu.memory_space<hbm>>
        %dma_wait3A_24 = tpu.memref_squeeze %dma_wait3A_23 : memref<1x10000x64xf32, #tpu.memory_space<hbm>> -> memref<10000x64xf32, #tpu.memory_space<hbm>>
        %dma_wait3A_25 = arith.constant 0 : i32
        %dma_wait3A_26 = arith.constant 0 : i32
        %dma_wait3A_27 = tpu.memref_slice %dma_wait3A_24[%dma_wait3A_25, %dma_wait3A_26] : memref<10000x64xf32, #tpu.memory_space<hbm>> -> memref<10000x64xf32, #tpu.memory_space<hbm>>
        tpu.wait_indirect_dma semaphore(%run_scoped3A : memref<!tpu.dma_semaphore, #tpu.memory_space<semaphore_mem>>) src(%dma_wait3A_27 : memref<10000x64xf32, #tpu.memory_space<hbm>>) dst(%arg12 : memref<80x64xf32, #tpu.memory_space<vmem>>)
        tpu.yield
      }) : () -> ()
      "tpu.region"() ({
        %run_scoped3A = tpu.sem_alloc : memref<!tpu.dma_semaphore, #tpu.memory_space<semaphore_mem>>
        %dma_start3A = arith.constant 0 : i32
        %dma_start3A_10 = tpu.memref_slice %arg11[%add3A_9, %dma_start3A] : memref<250x80xi32, #tpu.memory_space<vmem>> -> memref<1x80xi32, #tpu.memory_space<vmem>>
        %dma_start3A_11 = tpu.memref_squeeze %dma_start3A_10 : memref<1x80xi32, #tpu.memory_space<vmem>> -> memref<80xi32, #tpu.memory_space<vmem>>
        %dma_start3A_12 = arith.constant 0 : i32
        %dma_start3A_13 = arith.constant 0 : i32
        %dma_start3A_14 = tpu.memref_slice %arg14[%dma_start3A_12, %dma_start3A_13] : memref<10112x64xf32, #tpu.memory_space<vmem_shared>> -> memref<10112x64xf32, #tpu.memory_space<vmem_shared>>
        tpu.enqueue_indirect_dma source(%arg12 : memref<80x64xf32, #tpu.memory_space<vmem>>) target(%dma_start3A_14 : memref<10112x64xf32, #tpu.memory_space<vmem_shared>>) offsets(%dma_start3A_11 : memref<80xi32, #tpu.memory_space<vmem>>) semaphore(%run_scoped3A : memref<!tpu.dma_semaphore, #tpu.memory_space<semaphore_mem>>) {add = true}
        %dma_wait3A = arith.constant 0 : i32
        %dma_wait3A_15 = tpu.memref_slice %arg11[%add3A_9, %dma_wait3A] : memref<250x80xi32, #tpu.memory_space<vmem>> -> memref<1x80xi32, #tpu.memory_space<vmem>>
        %dma_wait3A_16 = tpu.memref_squeeze %dma_wait3A_15 : memref<1x80xi32, #tpu.memory_space<vmem>> -> memref<80xi32, #tpu.memory_space<vmem>>
        %dma_wait3A_17 = arith.constant 0 : i32
        %dma_wait3A_18 = arith.constant 0 : i32
        %dma_wait3A_19 = tpu.memref_slice %arg14[%dma_wait3A_17, %dma_wait3A_18] : memref<10112x64xf32, #tpu.memory_space<vmem_shared>> -> memref<10112x64xf32, #tpu.memory_space<vmem_shared>>
        tpu.wait_indirect_dma semaphore(%run_scoped3A : memref<!tpu.dma_semaphore, #tpu.memory_space<semaphore_mem>>) src(%arg12 : memref<80x64xf32, #tpu.memory_space<vmem>>) dst(%dma_wait3A_19 : memref<10112x64xf32, #tpu.memory_space<vmem_shared>>)
        tpu.yield
      }) : () -> ()
      "tpu.region"() ({
        %run_scoped3A = tpu.sem_alloc : memref<!tpu.dma_semaphore, #tpu.memory_space<semaphore_mem>>
        %dma_start3A = arith.constant 0 : i32
        %dma_start3A_10 = tpu.memref_slice %arg11[%add3A_9, %dma_start3A] : memref<250x80xi32, #tpu.memory_space<vmem>> -> memref<1x80xi32, #tpu.memory_space<vmem>>
        %dma_start3A_11 = tpu.memref_squeeze %dma_start3A_10 : memref<1x80xi32, #tpu.memory_space<vmem>> -> memref<80xi32, #tpu.memory_space<vmem>>
        %dma_start3A_12 = arith.constant 0 : i32
        %dma_start3A_13 = arith.constant 0 : i32
        %dma_start3A_14 = tpu.memref_slice %arg15[%dma_start3A_12, %dma_start3A_13] : memref<10112x16xf32, #tpu.memory_space<vmem_shared>> -> memref<10112x16xf32, #tpu.memory_space<vmem_shared>>
        tpu.enqueue_indirect_dma source(%arg13 : memref<80x16xf32, #tpu.memory_space<vmem>>) target(%dma_start3A_14 : memref<10112x16xf32, #tpu.memory_space<vmem_shared>>) offsets(%dma_start3A_11 : memref<80xi32, #tpu.memory_space<vmem>>) semaphore(%run_scoped3A : memref<!tpu.dma_semaphore, #tpu.memory_space<semaphore_mem>>) {add = true}
        %dma_wait3A = arith.constant 0 : i32
        %dma_wait3A_15 = tpu.memref_slice %arg11[%add3A_9, %dma_wait3A] : memref<250x80xi32, #tpu.memory_space<vmem>> -> memref<1x80xi32, #tpu.memory_space<vmem>>
        %dma_wait3A_16 = tpu.memref_squeeze %dma_wait3A_15 : memref<1x80xi32, #tpu.memory_space<vmem>> -> memref<80xi32, #tpu.memory_space<vmem>>
        %dma_wait3A_17 = arith.constant 0 : i32
        %dma_wait3A_18 = arith.constant 0 : i32
        %dma_wait3A_19 = tpu.memref_slice %arg15[%dma_wait3A_17, %dma_wait3A_18] : memref<10112x16xf32, #tpu.memory_space<vmem_shared>> -> memref<10112x16xf32, #tpu.memory_space<vmem_shared>>
        tpu.wait_indirect_dma semaphore(%run_scoped3A : memref<!tpu.dma_semaphore, #tpu.memory_space<semaphore_mem>>) src(%arg13 : memref<80x16xf32, #tpu.memory_space<vmem>>) dst(%dma_wait3A_19 : memref<10112x16xf32, #tpu.memory_space<vmem_shared>>)
        tpu.yield
      }) : () -> ()
    }
    %scan3A_4 = arith.constant 250 : i32
    %barrier3A_5 = arith.constant 0 : index
    tpu.barrier barrier_id(%barrier3A_5)
    "tpu.region"() ({
      %run_scoped3A = tpu.sem_alloc : memref<!tpu.dma_semaphore, #tpu.memory_space<semaphore_mem>>
      %dma_start3A = arith.constant 0 : i32
      %dma_start3A_6 = tpu.memref_slice %arg8[%arg0, %mul3A_0, %dma_start3A] : memref<2x10112x64xf32, #tpu.memory_space<hbm>> -> memref<1x632x64xf32, #tpu.memory_space<hbm>>
      %dma_start3A_7 = tpu.memref_squeeze %dma_start3A_6 : memref<1x632x64xf32, #tpu.memory_space<hbm>> -> memref<632x64xf32, #tpu.memory_space<hbm>>
      %dma_start3A_8 = arith.constant 0 : i32
      %dma_start3A_9 = tpu.memref_slice %arg14[%mul3A_0, %dma_start3A_8] : memref<10112x64xf32, #tpu.memory_space<vmem_shared>> -> memref<632x64xf32, #tpu.memory_space<vmem_shared>>
      tpu.enqueue_dma source(%dma_start3A_9 : memref<632x64xf32, #tpu.memory_space<vmem_shared>>) target(%dma_start3A_7 : memref<632x64xf32, #tpu.memory_space<hbm>>) target_semaphore(%run_scoped3A : memref<!tpu.dma_semaphore, #tpu.memory_space<semaphore_mem>>)
      %dma_wait3A = arith.constant 0 : i32
      %dma_wait3A_10 = tpu.memref_slice %arg8[%arg0, %mul3A_0, %dma_wait3A] : memref<2x10112x64xf32, #tpu.memory_space<hbm>> -> memref<1x632x64xf32, #tpu.memory_space<hbm>>
      %dma_wait3A_11 = tpu.memref_squeeze %dma_wait3A_10 : memref<1x632x64xf32, #tpu.memory_space<hbm>> -> memref<632x64xf32, #tpu.memory_space<hbm>>
      %dma_wait3A_12 = arith.constant 0 : i32
      %dma_wait3A_13 = tpu.memref_slice %arg14[%mul3A_0, %dma_wait3A_12] : memref<10112x64xf32, #tpu.memory_space<vmem_shared>> -> memref<632x64xf32, #tpu.memory_space<vmem_shared>>
      tpu.wait_dma2 semaphore(%run_scoped3A : memref<!tpu.dma_semaphore, #tpu.memory_space<semaphore_mem>>) src(%dma_wait3A_13 : memref<632x64xf32, #tpu.memory_space<vmem_shared>>) dst(%dma_wait3A_11 : memref<632x64xf32, #tpu.memory_space<hbm>>)
      tpu.yield
    }) : () -> ()
    "tpu.region"() ({
      %run_scoped3A = tpu.sem_alloc : memref<!tpu.dma_semaphore, #tpu.memory_space<semaphore_mem>>
      %dma_start3A = arith.constant 0 : i32
      %dma_start3A_6 = tpu.memref_slice %arg9[%arg0, %mul3A_0, %dma_start3A] : memref<2x10112x16xf32, #tpu.memory_space<hbm>> -> memref<1x632x16xf32, #tpu.memory_space<hbm>>
      %dma_start3A_7 = tpu.memref_squeeze %dma_start3A_6 : memref<1x632x16xf32, #tpu.memory_space<hbm>> -> memref<632x16xf32, #tpu.memory_space<hbm>>
      %dma_start3A_8 = arith.constant 0 : i32
      %dma_start3A_9 = tpu.memref_slice %arg15[%mul3A_0, %dma_start3A_8] : memref<10112x16xf32, #tpu.memory_space<vmem_shared>> -> memref<632x16xf32, #tpu.memory_space<vmem_shared>>
      tpu.enqueue_dma source(%dma_start3A_9 : memref<632x16xf32, #tpu.memory_space<vmem_shared>>) target(%dma_start3A_7 : memref<632x16xf32, #tpu.memory_space<hbm>>) target_semaphore(%run_scoped3A : memref<!tpu.dma_semaphore, #tpu.memory_space<semaphore_mem>>)
      %dma_wait3A = arith.constant 0 : i32
      %dma_wait3A_10 = tpu.memref_slice %arg9[%arg0, %mul3A_0, %dma_wait3A] : memref<2x10112x16xf32, #tpu.memory_space<hbm>> -> memref<1x632x16xf32, #tpu.memory_space<hbm>>
      %dma_wait3A_11 = tpu.memref_squeeze %dma_wait3A_10 : memref<1x632x16xf32, #tpu.memory_space<hbm>> -> memref<632x16xf32, #tpu.memory_space<hbm>>
      %dma_wait3A_12 = arith.constant 0 : i32
      %dma_wait3A_13 = tpu.memref_slice %arg15[%mul3A_0, %dma_wait3A_12] : memref<10112x16xf32, #tpu.memory_space<vmem_shared>> -> memref<632x16xf32, #tpu.memory_space<vmem_shared>>
      tpu.wait_dma2 semaphore(%run_scoped3A : memref<!tpu.dma_semaphore, #tpu.memory_space<semaphore_mem>>) src(%dma_wait3A_13 : memref<632x16xf32, #tpu.memory_space<vmem_shared>>) dst(%dma_wait3A_11 : memref<632x16xf32, #tpu.memory_space<hbm>>)
      tpu.yield
    }) : () -> ()
    return
  }
}

#map = affine_map<(d0, d1) -> (0, 0, 0)>
#map1 = affine_map<(d0, d1) -> (0, 0)>
module attributes {stable_mosaic.version = 14 : i64} {
  func.func @body(%arg0: i32, %arg1: i32, %arg2: memref<2x10000x64xf32, #tpu.memory_space<hbm>>, %arg3: memref<16x250x80xi32, #tpu.memory_space<hbm>>, %arg4: memref<16x250x80xi32, #tpu.memory_space<hbm>>, %arg5: memref<10112x64xf32, #tpu.memory_space<hbm>>, %arg6: memref<10112x16xf32, #tpu.memory_space<hbm>>, %arg7: memref<80x16xf32, #tpu.memory_space<hbm>>, %arg8: memref<2x10112x64xf32, #tpu.memory_space<hbm>>, %arg9: memref<2x10112x16xf32, #tpu.memory_space<hbm>>, %arg10: memref<250x80xi32, #tpu.memory_space<vmem>>, %arg11: memref<250x80xi32, #tpu.memory_space<vmem>>, %arg12: memref<80x64xf32, #tpu.memory_space<vmem>>, %arg13: memref<80x16xf32, #tpu.memory_space<vmem>>, %arg14: memref<10112x64xf32, #tpu.memory_space<vmem_shared>>, %arg15: memref<10112x16xf32, #tpu.memory_space<vmem_shared>>) attributes {dimension_semantics = [#tpu.dimension_semantics<core_parallel>, #tpu.dimension_semantics<subcore_parallel>], iteration_bounds = array<i64: 2, 16>, scalar_prefetch = 0 : i64, scratch_operands = 6 : i64, tpu.core_type = #tpu.core_type<sc_vector_subcore>, window_params = [{transform_indices = #map}, {transform_indices = #map}, {transform_indices = #map}, {transform_indices = #map1}, {transform_indices = #map1}, {transform_indices = #map1}, {transform_indices = #map}, {transform_indices = #map}]} {
    %mul3A = arith.constant 632 : i32
    %mul3A_0 = arith.muli %arg1, %mul3A : i32
    "tpu.region"() ({
      %run_scoped3A = tpu.sem_alloc : memref<!tpu.dma_semaphore, #tpu.memory_space<semaphore_mem>>
      %dma_start3A = arith.constant 0 : i32
      %dma_start3A_6 = tpu.memref_slice %arg14[%mul3A_0, %dma_start3A] : memref<10112x64xf32, #tpu.memory_space<vmem_shared>> -> memref<632x64xf32, #tpu.memory_space<vmem_shared>>
      %dma_start3A_7 = arith.constant 0 : i32
      %dma_start3A_8 = tpu.memref_slice %arg5[%mul3A_0, %dma_start3A_7] : memref<10112x64xf32, #tpu.memory_space<hbm>> -> memref<632x64xf32, #tpu.memory_space<hbm>>
      tpu.enqueue_dma source(%dma_start3A_8 : memref<632x64xf32, #tpu.memory_space<hbm>>) target(%dma_start3A_6 : memref<632x64xf32, #tpu.memory_space<vmem_shared>>) target_semaphore(%run_scoped3A : memref<!tpu.dma_semaphore, #tpu.memory_space<semaphore_mem>>)
      %dma_wait3A = arith.constant 0 : i32
      %dma_wait3A_9 = tpu.memref_slice %arg14[%mul3A_0, %dma_wait3A] : memref<10112x64xf32, #tpu.memory_space<vmem_shared>> -> memref<632x64xf32, #tpu.memory_space<vmem_shared>>
      %dma_wait3A_10 = arith.constant 0 : i32
      %dma_wait3A_11 = tpu.memref_slice %arg5[%mul3A_0, %dma_wait3A_10] : memref<10112x64xf32, #tpu.memory_space<hbm>> -> memref<632x64xf32, #tpu.memory_space<hbm>>
      tpu.wait_dma2 semaphore(%run_scoped3A : memref<!tpu.dma_semaphore, #tpu.memory_space<semaphore_mem>>) src(%dma_wait3A_11 : memref<632x64xf32, #tpu.memory_space<hbm>>) dst(%dma_wait3A_9 : memref<632x64xf32, #tpu.memory_space<vmem_shared>>)
      tpu.yield
    }) : () -> ()
    "tpu.region"() ({
      %run_scoped3A = tpu.sem_alloc : memref<!tpu.dma_semaphore, #tpu.memory_space<semaphore_mem>>
      %dma_start3A = arith.constant 0 : i32
      %dma_start3A_6 = tpu.memref_slice %arg15[%mul3A_0, %dma_start3A] : memref<10112x16xf32, #tpu.memory_space<vmem_shared>> -> memref<632x16xf32, #tpu.memory_space<vmem_shared>>
      %dma_start3A_7 = arith.constant 0 : i32
      %dma_start3A_8 = tpu.memref_slice %arg6[%mul3A_0, %dma_start3A_7] : memref<10112x16xf32, #tpu.memory_space<hbm>> -> memref<632x16xf32, #tpu.memory_space<hbm>>
      tpu.enqueue_dma source(%dma_start3A_8 : memref<632x16xf32, #tpu.memory_space<hbm>>) target(%dma_start3A_6 : memref<632x16xf32, #tpu.memory_space<vmem_shared>>) target_semaphore(%run_scoped3A : memref<!tpu.dma_semaphore, #tpu.memory_space<semaphore_mem>>)
      %dma_wait3A = arith.constant 0 : i32
      %dma_wait3A_9 = tpu.memref_slice %arg15[%mul3A_0, %dma_wait3A] : memref<10112x16xf32, #tpu.memory_space<vmem_shared>> -> memref<632x16xf32, #tpu.memory_space<vmem_shared>>
      %dma_wait3A_10 = arith.constant 0 : i32
      %dma_wait3A_11 = tpu.memref_slice %arg6[%mul3A_0, %dma_wait3A_10] : memref<10112x16xf32, #tpu.memory_space<hbm>> -> memref<632x16xf32, #tpu.memory_space<hbm>>
      tpu.wait_dma2 semaphore(%run_scoped3A : memref<!tpu.dma_semaphore, #tpu.memory_space<semaphore_mem>>) src(%dma_wait3A_11 : memref<632x16xf32, #tpu.memory_space<hbm>>) dst(%dma_wait3A_9 : memref<632x16xf32, #tpu.memory_space<vmem_shared>>)
      tpu.yield
    }) : () -> ()
    "tpu.region"() ({
      %run_scoped3A = tpu.sem_alloc : memref<!tpu.dma_semaphore, #tpu.memory_space<semaphore_mem>>
      tpu.enqueue_dma source(%arg7 : memref<80x16xf32, #tpu.memory_space<hbm>>) target(%arg13 : memref<80x16xf32, #tpu.memory_space<vmem>>) target_semaphore(%run_scoped3A : memref<!tpu.dma_semaphore, #tpu.memory_space<semaphore_mem>>)
      tpu.wait_dma2 semaphore(%run_scoped3A : memref<!tpu.dma_semaphore, #tpu.memory_space<semaphore_mem>>) src(%arg7 : memref<80x16xf32, #tpu.memory_space<hbm>>) dst(%arg13 : memref<80x16xf32, #tpu.memory_space<vmem>>)
      tpu.yield
    }) : () -> ()
    "tpu.region"() ({
      %run_scoped3A = tpu.sem_alloc : memref<!tpu.dma_semaphore, #tpu.memory_space<semaphore_mem>>
      %dma_start3A = arith.constant 0 : i32
      %dma_start3A_6 = arith.constant 0 : i32
      %dma_start3A_7 = tpu.memref_slice %arg3[%arg1, %dma_start3A, %dma_start3A_6] : memref<16x250x80xi32, #tpu.memory_space<hbm>> -> memref<1x250x80xi32, #tpu.memory_space<hbm>>
      %dma_start3A_8 = tpu.memref_squeeze %dma_start3A_7 : memref<1x250x80xi32, #tpu.memory_space<hbm>> -> memref<250x80xi32, #tpu.memory_space<hbm>>
      %dma_start3A_9 = arith.constant 0 : i32
      %dma_start3A_10 = arith.constant 0 : i32
      %dma_start3A_11 = tpu.memref_slice %arg3[%arg1, %dma_start3A_9, %dma_start3A_10] : memref<16x250x80xi32, #tpu.memory_space<hbm>> -> memref<1x250x80xi32, #tpu.memory_space<hbm>>
      %dma_start3A_12 = tpu.memref_squeeze %dma_start3A_11 : memref<1x250x80xi32, #tpu.memory_space<hbm>> -> memref<250x80xi32, #tpu.memory_space<hbm>>
      tpu.enqueue_dma source(%dma_start3A_12 : memref<250x80xi32, #tpu.memory_space<hbm>>) target(%arg10 : memref<250x80xi32, #tpu.memory_space<vmem>>) target_semaphore(%run_scoped3A : memref<!tpu.dma_semaphore, #tpu.memory_space<semaphore_mem>>)
      %dma_wait3A = arith.constant 0 : i32
      %dma_wait3A_13 = arith.constant 0 : i32
      %dma_wait3A_14 = tpu.memref_slice %arg3[%arg1, %dma_wait3A, %dma_wait3A_13] : memref<16x250x80xi32, #tpu.memory_space<hbm>> -> memref<1x250x80xi32, #tpu.memory_space<hbm>>
      %dma_wait3A_15 = tpu.memref_squeeze %dma_wait3A_14 : memref<1x250x80xi32, #tpu.memory_space<hbm>> -> memref<250x80xi32, #tpu.memory_space<hbm>>
      %dma_wait3A_16 = arith.constant 0 : i32
      %dma_wait3A_17 = arith.constant 0 : i32
      %dma_wait3A_18 = tpu.memref_slice %arg3[%arg1, %dma_wait3A_16, %dma_wait3A_17] : memref<16x250x80xi32, #tpu.memory_space<hbm>> -> memref<1x250x80xi32, #tpu.memory_space<hbm>>
      %dma_wait3A_19 = tpu.memref_squeeze %dma_wait3A_18 : memref<1x250x80xi32, #tpu.memory_space<hbm>> -> memref<250x80xi32, #tpu.memory_space<hbm>>
      tpu.wait_dma2 semaphore(%run_scoped3A : memref<!tpu.dma_semaphore, #tpu.memory_space<semaphore_mem>>) src(%dma_wait3A_19 : memref<250x80xi32, #tpu.memory_space<hbm>>) dst(%arg10 : memref<250x80xi32, #tpu.memory_space<vmem>>)
      tpu.yield
    }) : () -> ()
    "tpu.region"() ({
      %run_scoped3A = tpu.sem_alloc : memref<!tpu.dma_semaphore, #tpu.memory_space<semaphore_mem>>
      %dma_start3A = arith.constant 0 : i32
      %dma_start3A_6 = arith.constant 0 : i32
      %dma_start3A_7 = tpu.memref_slice %arg4[%arg1, %dma_start3A, %dma_start3A_6] : memref<16x250x80xi32, #tpu.memory_space<hbm>> -> memref<1x250x80xi32, #tpu.memory_space<hbm>>
      %dma_start3A_8 = tpu.memref_squeeze %dma_start3A_7 : memref<1x250x80xi32, #tpu.memory_space<hbm>> -> memref<250x80xi32, #tpu.memory_space<hbm>>
      %dma_start3A_9 = arith.constant 0 : i32
      %dma_start3A_10 = arith.constant 0 : i32
      %dma_start3A_11 = tpu.memref_slice %arg4[%arg1, %dma_start3A_9, %dma_start3A_10] : memref<16x250x80xi32, #tpu.memory_space<hbm>> -> memref<1x250x80xi32, #tpu.memory_space<hbm>>
      %dma_start3A_12 = tpu.memref_squeeze %dma_start3A_11 : memref<1x250x80xi32, #tpu.memory_space<hbm>> -> memref<250x80xi32, #tpu.memory_space<hbm>>
      tpu.enqueue_dma source(%dma_start3A_12 : memref<250x80xi32, #tpu.memory_space<hbm>>) target(%arg11 : memref<250x80xi32, #tpu.memory_space<vmem>>) target_semaphore(%run_scoped3A : memref<!tpu.dma_semaphore, #tpu.memory_space<semaphore_mem>>)
      %dma_wait3A = arith.constant 0 : i32
      %dma_wait3A_13 = arith.constant 0 : i32
      %dma_wait3A_14 = tpu.memref_slice %arg4[%arg1, %dma_wait3A, %dma_wait3A_13] : memref<16x250x80xi32, #tpu.memory_space<hbm>> -> memref<1x250x80xi32, #tpu.memory_space<hbm>>
      %dma_wait3A_15 = tpu.memref_squeeze %dma_wait3A_14 : memref<1x250x80xi32, #tpu.memory_space<hbm>> -> memref<250x80xi32, #tpu.memory_space<hbm>>
      %dma_wait3A_16 = arith.constant 0 : i32
      %dma_wait3A_17 = arith.constant 0 : i32
      %dma_wait3A_18 = tpu.memref_slice %arg4[%arg1, %dma_wait3A_16, %dma_wait3A_17] : memref<16x250x80xi32, #tpu.memory_space<hbm>> -> memref<1x250x80xi32, #tpu.memory_space<hbm>>
      %dma_wait3A_19 = tpu.memref_squeeze %dma_wait3A_18 : memref<1x250x80xi32, #tpu.memory_space<hbm>> -> memref<250x80xi32, #tpu.memory_space<hbm>>
      tpu.wait_dma2 semaphore(%run_scoped3A : memref<!tpu.dma_semaphore, #tpu.memory_space<semaphore_mem>>) src(%dma_wait3A_19 : memref<250x80xi32, #tpu.memory_space<hbm>>) dst(%arg11 : memref<250x80xi32, #tpu.memory_space<vmem>>)
      tpu.yield
    }) : () -> ()
    %barrier3A = arith.constant 0 : index
    tpu.barrier barrier_id(%barrier3A)
    %scan3A = arith.constant 0 : i32
    %scan3A_1 = arith.constant 250 : i32
    %scan3A_2 = arith.addi %scan3A, %scan3A_1 : i32
    %scan3A_3 = arith.constant 1 : i32
    scf.for %scan3A_6 = %scan3A to %scan3A_2 step %scan3A_3  : i32 {
      %mul3A_7 = arith.constant 1 : i32
      %mul3A_8 = arith.muli %scan3A_6, %mul3A_7 : i32
      %add3A = arith.constant 0 : i32
      %add3A_9 = arith.addi %add3A, %mul3A_8 : i32
      "tpu.region"() ({
        %run_scoped3A = tpu.sem_alloc : memref<!tpu.dma_semaphore, #tpu.memory_space<semaphore_mem>>
        %dma_start3A = arith.constant 0 : i32
        %dma_start3A_10 = tpu.memref_slice %arg10[%add3A_9, %dma_start3A] : memref<250x80xi32, #tpu.memory_space<vmem>> -> memref<1x80xi32, #tpu.memory_space<vmem>>
        %dma_start3A_11 = tpu.memref_squeeze %dma_start3A_10 : memref<1x80xi32, #tpu.memory_space<vmem>> -> memref<80xi32, #tpu.memory_space<vmem>>
        %dma_start3A_12 = arith.constant 0 : i32
        %dma_start3A_13 = arith.constant 0 : i32
        %dma_start3A_14 = tpu.memref_slice %arg2[%arg0, %dma_start3A_12, %dma_start3A_13] : memref<2x10000x64xf32, #tpu.memory_space<hbm>> -> memref<1x10000x64xf32, #tpu.memory_space<hbm>>
        %dma_start3A_15 = tpu.memref_squeeze %dma_start3A_14 : memref<1x10000x64xf32, #tpu.memory_space<hbm>> -> memref<10000x64xf32, #tpu.memory_space<hbm>>
        %dma_start3A_16 = arith.constant 0 : i32
        %dma_start3A_17 = arith.constant 0 : i32
        %dma_start3A_18 = tpu.memref_slice %dma_start3A_15[%dma_start3A_16, %dma_start3A_17] : memref<10000x64xf32, #tpu.memory_space<hbm>> -> memref<10000x64xf32, #tpu.memory_space<hbm>>
        tpu.enqueue_indirect_dma source(%dma_start3A_18 : memref<10000x64xf32, #tpu.memory_space<hbm>>) target(%arg12 : memref<80x64xf32, #tpu.memory_space<vmem>>) offsets(%dma_start3A_11 : memref<80xi32, #tpu.memory_space<vmem>>) semaphore(%run_scoped3A : memref<!tpu.dma_semaphore, #tpu.memory_space<semaphore_mem>>)
        %dma_wait3A = arith.constant 0 : i32
        %dma_wait3A_19 = tpu.memref_slice %arg10[%add3A_9, %dma_wait3A] : memref<250x80xi32, #tpu.memory_space<vmem>> -> memref<1x80xi32, #tpu.memory_space<vmem>>
        %dma_wait3A_20 = tpu.memref_squeeze %dma_wait3A_19 : memref<1x80xi32, #tpu.memory_space<vmem>> -> memref<80xi32, #tpu.memory_space<vmem>>
        %dma_wait3A_21 = arith.constant 0 : i32
        %dma_wait3A_22 = arith.constant 0 : i32
        %dma_wait3A_23 = tpu.memref_slice %arg2[%arg0, %dma_wait3A_21, %dma_wait3A_22] : memref<2x10000x64xf32, #tpu.memory_space<hbm>> -> memref<1x10000x64xf32, #tpu.memory_space<hbm>>
        %dma_wait3A_24 = tpu.memref_squeeze %dma_wait3A_23 : memref<1x10000x64xf32, #tpu.memory_space<hbm>> -> memref<10000x64xf32, #tpu.memory_space<hbm>>
        %dma_wait3A_25 = arith.constant 0 : i32
        %dma_wait3A_26 = arith.constant 0 : i32
        %dma_wait3A_27 = tpu.memref_slice %dma_wait3A_24[%dma_wait3A_25, %dma_wait3A_26] : memref<10000x64xf32, #tpu.memory_space<hbm>> -> memref<10000x64xf32, #tpu.memory_space<hbm>>
        tpu.wait_indirect_dma semaphore(%run_scoped3A : memref<!tpu.dma_semaphore, #tpu.memory_space<semaphore_mem>>) src(%dma_wait3A_27 : memref<10000x64xf32, #tpu.memory_space<hbm>>) dst(%arg12 : memref<80x64xf32, #tpu.memory_space<vmem>>)
        tpu.yield
      }) : () -> ()
      "tpu.region"() ({
        %run_scoped3A = tpu.sem_alloc : memref<!tpu.dma_semaphore, #tpu.memory_space<semaphore_mem>>
        %dma_start3A = arith.constant 0 : i32
        %dma_start3A_10 = tpu.memref_slice %arg11[%add3A_9, %dma_start3A] : memref<250x80xi32, #tpu.memory_space<vmem>> -> memref<1x80xi32, #tpu.memory_space<vmem>>
        %dma_start3A_11 = tpu.memref_squeeze %dma_start3A_10 : memref<1x80xi32, #tpu.memory_space<vmem>> -> memref<80xi32, #tpu.memory_space<vmem>>
        %dma_start3A_12 = arith.constant 0 : i32
        %dma_start3A_13 = arith.constant 0 : i32
        %dma_start3A_14 = tpu.memref_slice %arg14[%dma_start3A_12, %dma_start3A_13] : memref<10112x64xf32, #tpu.memory_space<vmem_shared>> -> memref<10112x64xf32, #tpu.memory_space<vmem_shared>>
        tpu.enqueue_indirect_dma source(%arg12 : memref<80x64xf32, #tpu.memory_space<vmem>>) target(%dma_start3A_14 : memref<10112x64xf32, #tpu.memory_space<vmem_shared>>) offsets(%dma_start3A_11 : memref<80xi32, #tpu.memory_space<vmem>>) semaphore(%run_scoped3A : memref<!tpu.dma_semaphore, #tpu.memory_space<semaphore_mem>>) {add = true}
        %dma_wait3A = arith.constant 0 : i32
        %dma_wait3A_15 = tpu.memref_slice %arg11[%add3A_9, %dma_wait3A] : memref<250x80xi32, #tpu.memory_space<vmem>> -> memref<1x80xi32, #tpu.memory_space<vmem>>
        %dma_wait3A_16 = tpu.memref_squeeze %dma_wait3A_15 : memref<1x80xi32, #tpu.memory_space<vmem>> -> memref<80xi32, #tpu.memory_space<vmem>>
        %dma_wait3A_17 = arith.constant 0 : i32
        %dma_wait3A_18 = arith.constant 0 : i32
        %dma_wait3A_19 = tpu.memref_slice %arg14[%dma_wait3A_17, %dma_wait3A_18] : memref<10112x64xf32, #tpu.memory_space<vmem_shared>> -> memref<10112x64xf32, #tpu.memory_space<vmem_shared>>
        tpu.wait_indirect_dma semaphore(%run_scoped3A : memref<!tpu.dma_semaphore, #tpu.memory_space<semaphore_mem>>) src(%arg12 : memref<80x64xf32, #tpu.memory_space<vmem>>) dst(%dma_wait3A_19 : memref<10112x64xf32, #tpu.memory_space<vmem_shared>>)
        tpu.yield
      }) : () -> ()
      "tpu.region"() ({
        %run_scoped3A = tpu.sem_alloc : memref<!tpu.dma_semaphore, #tpu.memory_space<semaphore_mem>>
        %dma_start3A = arith.constant 0 : i32
        %dma_start3A_10 = tpu.memref_slice %arg11[%add3A_9, %dma_start3A] : memref<250x80xi32, #tpu.memory_space<vmem>> -> memref<1x80xi32, #tpu.memory_space<vmem>>
        %dma_start3A_11 = tpu.memref_squeeze %dma_start3A_10 : memref<1x80xi32, #tpu.memory_space<vmem>> -> memref<80xi32, #tpu.memory_space<vmem>>
        %dma_start3A_12 = arith.constant 0 : i32
        %dma_start3A_13 = arith.constant 0 : i32
        %dma_start3A_14 = tpu.memref_slice %arg15[%dma_start3A_12, %dma_start3A_13] : memref<10112x16xf32, #tpu.memory_space<vmem_shared>> -> memref<10112x16xf32, #tpu.memory_space<vmem_shared>>
        tpu.enqueue_indirect_dma source(%arg13 : memref<80x16xf32, #tpu.memory_space<vmem>>) target(%dma_start3A_14 : memref<10112x16xf32, #tpu.memory_space<vmem_shared>>) offsets(%dma_start3A_11 : memref<80xi32, #tpu.memory_space<vmem>>) semaphore(%run_scoped3A : memref<!tpu.dma_semaphore, #tpu.memory_space<semaphore_mem>>) {add = true}
        %dma_wait3A = arith.constant 0 : i32
        %dma_wait3A_15 = tpu.memref_slice %arg11[%add3A_9, %dma_wait3A] : memref<250x80xi32, #tpu.memory_space<vmem>> -> memref<1x80xi32, #tpu.memory_space<vmem>>
        %dma_wait3A_16 = tpu.memref_squeeze %dma_wait3A_15 : memref<1x80xi32, #tpu.memory_space<vmem>> -> memref<80xi32, #tpu.memory_space<vmem>>
        %dma_wait3A_17 = arith.constant 0 : i32
        %dma_wait3A_18 = arith.constant 0 : i32
        %dma_wait3A_19 = tpu.memref_slice %arg15[%dma_wait3A_17, %dma_wait3A_18] : memref<10112x16xf32, #tpu.memory_space<vmem_shared>> -> memref<10112x16xf32, #tpu.memory_space<vmem_shared>>
        tpu.wait_indirect_dma semaphore(%run_scoped3A : memref<!tpu.dma_semaphore, #tpu.memory_space<semaphore_mem>>) src(%arg13 : memref<80x16xf32, #tpu.memory_space<vmem>>) dst(%dma_wait3A_19 : memref<10112x16xf32, #tpu.memory_space<vmem_shared>>)
        tpu.yield
      }) : () -> ()
    }
    %scan3A_4 = arith.constant 250 : i32
    %barrier3A_5 = arith.constant 0 : index
    tpu.barrier barrier_id(%barrier3A_5)
    "tpu.region"() ({
      %run_scoped3A = tpu.sem_alloc : memref<!tpu.dma_semaphore, #tpu.memory_space<semaphore_mem>>
      %dma_start3A = arith.constant 0 : i32
      %dma_start3A_6 = tpu.memref_slice %arg8[%arg0, %mul3A_0, %dma_start3A] : memref<2x10112x64xf32, #tpu.memory_space<hbm>> -> memref<1x632x64xf32, #tpu.memory_space<hbm>>
      %dma_start3A_7 = tpu.memref_squeeze %dma_start3A_6 : memref<1x632x64xf32, #tpu.memory_space<hbm>> -> memref<632x64xf32, #tpu.memory_space<hbm>>
      %dma_start3A_8 = arith.constant 0 : i32
      %dma_start3A_9 = tpu.memref_slice %arg14[%mul3A_0, %dma_start3A_8] : memref<10112x64xf32, #tpu.memory_space<vmem_shared>> -> memref<632x64xf32, #tpu.memory_space<vmem_shared>>
      tpu.enqueue_dma source(%dma_start3A_9 : memref<632x64xf32, #tpu.memory_space<vmem_shared>>) target(%dma_start3A_7 : memref<632x64xf32, #tpu.memory_space<hbm>>) target_semaphore(%run_scoped3A : memref<!tpu.dma_semaphore, #tpu.memory_space<semaphore_mem>>)
      %dma_wait3A = arith.constant 0 : i32
      %dma_wait3A_10 = tpu.memref_slice %arg8[%arg0, %mul3A_0, %dma_wait3A] : memref<2x10112x64xf32, #tpu.memory_space<hbm>> -> memref<1x632x64xf32, #tpu.memory_space<hbm>>
      %dma_wait3A_11 = tpu.memref_squeeze %dma_wait3A_10 : memref<1x632x64xf32, #tpu.memory_space<hbm>> -> memref<632x64xf32, #tpu.memory_space<hbm>>
      %dma_wait3A_12 = arith.constant 0 : i32
      %dma_wait3A_13 = tpu.memref_slice %arg14[%mul3A_0, %dma_wait3A_12] : memref<10112x64xf32, #tpu.memory_space<vmem_shared>> -> memref<632x64xf32, #tpu.memory_space<vmem_shared>>
      tpu.wait_dma2 semaphore(%run_scoped3A : memref<!tpu.dma_semaphore, #tpu.memory_space<semaphore_mem>>) src(%dma_wait3A_13 : memref<632x64xf32, #tpu.memory_space<vmem_shared>>) dst(%dma_wait3A_11 : memref<632x64xf32, #tpu.memory_space<hbm>>)
      tpu.yield
    }) : () -> ()
    "tpu.region"() ({
      %run_scoped3A = tpu.sem_alloc : memref<!tpu.dma_semaphore, #tpu.memory_space<semaphore_mem>>
      %dma_start3A = arith.constant 0 : i32
      %dma_start3A_6 = tpu.memref_slice %arg9[%arg0, %mul3A_0, %dma_start3A] : memref<2x10112x16xf32, #tpu.memory_space<hbm>> -> memref<1x632x16xf32, #tpu.memory_space<hbm>>
      %dma_start3A_7 = tpu.memref_squeeze %dma_start3A_6 : memref<1x632x16xf32, #tpu.memory_space<hbm>> -> memref<632x16xf32, #tpu.memory_space<hbm>>
      %dma_start3A_8 = arith.constant 0 : i32
      %dma_start3A_9 = tpu.memref_slice %arg15[%mul3A_0, %dma_start3A_8] : memref<10112x16xf32, #tpu.memory_space<vmem_shared>> -> memref<632x16xf32, #tpu.memory_space<vmem_shared>>
      tpu.enqueue_dma source(%dma_start3A_9 : memref<632x16xf32, #tpu.memory_space<vmem_shared>>) target(%dma_start3A_7 : memref<632x16xf32, #tpu.memory_space<hbm>>) target_semaphore(%run_scoped3A : memref<!tpu.dma_semaphore, #tpu.memory_space<semaphore_mem>>)
      %dma_wait3A = arith.constant 0 : i32
      %dma_wait3A_10 = tpu.memref_slice %arg9[%arg0, %mul3A_0, %dma_wait3A] : memref<2x10112x16xf32, #tpu.memory_space<hbm>> -> memref<1x632x16xf32, #tpu.memory_space<hbm>>
      %dma_wait3A_11 = tpu.memref_squeeze %dma_wait3A_10 : memref<1x632x16xf32, #tpu.memory_space<hbm>> -> memref<632x16xf32, #tpu.memory_space<hbm>>
      %dma_wait3A_12 = arith.constant 0 : i32
      %dma_wait3A_13 = tpu.memref_slice %arg15[%mul3A_0, %dma_wait3A_12] : memref<10112x16xf32, #tpu.memory_space<vmem_shared>> -> memref<632x16xf32, #tpu.memory_space<vmem_shared>>
      tpu.wait_dma2 semaphore(%run_scoped3A : memref<!tpu.dma_semaphore, #tpu.memory_space<semaphore_mem>>) src(%dma_wait3A_13 : memref<632x16xf32, #tpu.memory_space<vmem_shared>>) dst(%dma_wait3A_11 : memref<632x16xf32, #tpu.memory_space<hbm>>)
      tpu.yield
    }) : () -> ()
    return
  }
}

module attributes {stable_mosaic.version = 14 : i64} {
  func.func @_combine_body(%arg0: i32, %arg1: memref<2x1000x64xf32, #tpu.memory_space<vmem>>, %arg2: memref<1x1000x16xf32, #tpu.memory_space<vmem>>, %arg3: memref<2x1000x64xf32, #tpu.memory_space<vmem>>, %arg4: memref<128x128xf32, #tpu.memory_space<vmem>>, %arg5: memref<128x128xf32, #tpu.memory_space<vmem>>, %arg6: memref<1x128xf32, #tpu.memory_space<vmem>>, %arg7: memref<2x1000x64xf32, #tpu.memory_space<vmem>>) attributes {dimension_semantics = [#tpu.dimension_semantics<arbitrary>], iteration_bounds = array<i64: 10>, scalar_prefetch = 0 : i64, scratch_operands = 0 : i64, tpu.core_type = #tpu.core_type<tc>, window_params = [{transform_indices = @transform_0, window_bounds = array<i64: 2, 1000, 64>}, {transform_indices = @transform_1, window_bounds = array<i64: 1, 1000, 16>}, {transform_indices = @transform_2, window_bounds = array<i64: 2, 1000, 64>}, {pipeline_mode = #tpu.pipeline_mode<synchronous>, transform_indices = @transform_3, window_bounds = array<i64: 128, 128>}, {pipeline_mode = #tpu.pipeline_mode<synchronous>, transform_indices = @transform_4, window_bounds = array<i64: 128, 128>}, {pipeline_mode = #tpu.pipeline_mode<synchronous>, transform_indices = @transform_5, window_bounds = array<i64: 1, 128>}, {transform_indices = @transform_6, window_bounds = array<i64: 2, 1000, 64>}]} {
    %get3A = arith.constant 0 : index
    %get3A_0 = arith.constant 0 : index
    %get3A_1 = arith.constant 0 : index
    %get3A_2 = vector.load %arg1[%get3A, %get3A_0, %get3A_1] : memref<2x1000x64xf32, #tpu.memory_space<vmem>>, vector<1x1000x64xf32>
    %get3A_3 = vector.shape_cast %get3A_2 : vector<1x1000x64xf32> to vector<1000x64xf32>
    %get3A_4 = arith.constant 1 : index
    %get3A_5 = arith.constant 0 : index
    %get3A_6 = arith.constant 0 : index
    %get3A_7 = vector.load %arg1[%get3A_4, %get3A_5, %get3A_6] : memref<2x1000x64xf32, #tpu.memory_space<vmem>>, vector<1x1000x64xf32>
    %get3A_8 = vector.shape_cast %get3A_7 : vector<1x1000x64xf32> to vector<1000x64xf32>
    %concatenate3A = tpu.concatenate %get3A_3, %get3A_8 in 1 : vector<1000x64xf32>, vector<1000x64xf32> -> vector<1000x128xf32>
    %get3A_9 = arith.constant 0 : index
    %get3A_10 = arith.constant 0 : index
    %get3A_11 = arith.constant 0 : index
    %get3A_12 = vector.load %arg3[%get3A_9, %get3A_10, %get3A_11] : memref<2x1000x64xf32, #tpu.memory_space<vmem>>, vector<1x1000x64xf32>
    %get3A_13 = vector.shape_cast %get3A_12 : vector<1x1000x64xf32> to vector<1000x64xf32>
    %get3A_14 = arith.constant 1 : index
    %get3A_15 = arith.constant 0 : index
    %get3A_16 = arith.constant 0 : index
    %get3A_17 = vector.load %arg3[%get3A_14, %get3A_15, %get3A_16] : memref<2x1000x64xf32, #tpu.memory_space<vmem>>, vector<1x1000x64xf32>
    %get3A_18 = vector.shape_cast %get3A_17 : vector<1x1000x64xf32> to vector<1000x64xf32>
    %concatenate3A_19 = tpu.concatenate %get3A_13, %get3A_18 in 1 : vector<1000x64xf32>, vector<1000x64xf32> -> vector<1000x128xf32>
    %get3A_20 = arith.constant 0 : index
    %get3A_21 = arith.constant 0 : index
    %get3A_22 = arith.constant 0 : index
    %get3A_23 = vector.load %arg2[%get3A_20, %get3A_21, %get3A_22] : memref<1x1000x16xf32, #tpu.memory_space<vmem>>, vector<1x1000x1xf32>
    %get3A_24 = vector.shape_cast %get3A_23 : vector<1x1000x1xf32> to vector<1000x1xf32>
    %max3A = arith.constant 1.000000e+00 : f32
    %max3A_25 = vector.broadcast %max3A : f32 to vector<1000x1xf32>
    %max3A_26 = arith.maximumf %get3A_24, %max3A_25 : vector<1000x1xf32>
    %div3A = vector.broadcast %max3A_26 : vector<1000x1xf32> to vector<1000x128xf32>
    %div3A_27 = arith.divf %concatenate3A, %div3A : vector<1000x128xf32>
    %get3A_28 = arith.constant 0 : index
    %get3A_29 = arith.constant 0 : index
    %get3A_30 = vector.load %arg4[%get3A_28, %get3A_29] : memref<128x128xf32, #tpu.memory_space<vmem>>, vector<128x128xf32>
    %dot_general3A = arith.constant dense<0.000000e+00> : vector<1000x128xf32>
    %dot_general3A_31 = tpu.matmul %div3A_27, %get3A_30, %dot_general3A {dimension_numbers = #tpu.dot_dimension_numbers<[1], [0], [0], [1], [0, 0, 1, 1], [], []>, transpose_lhs_hint = false} : vector<1000x128xf32>, vector<128x128xf32>, vector<1000x128xf32> -> vector<1000x128xf32>
    %get3A_32 = arith.constant 0 : index
    %get3A_33 = arith.constant 0 : index
    %get3A_34 = vector.load %arg5[%get3A_32, %get3A_33] : memref<128x128xf32, #tpu.memory_space<vmem>>, vector<128x128xf32>
    %dot_general3A_35 = arith.constant dense<0.000000e+00> : vector<1000x128xf32>
    %dot_general3A_36 = tpu.matmul %concatenate3A_19, %get3A_34, %dot_general3A_35 {dimension_numbers = #tpu.dot_dimension_numbers<[1], [0], [0], [1], [0, 0, 1, 1], [], []>, transpose_lhs_hint = false} : vector<1000x128xf32>, vector<128x128xf32>, vector<1000x128xf32> -> vector<1000x128xf32>
    %add3A = arith.addf %dot_general3A_31, %dot_general3A_36 : vector<1000x128xf32>
    %get3A_37 = arith.constant 0 : index
    %get3A_38 = arith.constant 0 : index
    %get3A_39 = vector.load %arg6[%get3A_37, %get3A_38] : memref<1x128xf32, #tpu.memory_space<vmem>>, vector<1x128xf32>
    %add3A_40 = vector.broadcast %get3A_39 : vector<1x128xf32> to vector<1000x128xf32>
    %add3A_41 = arith.addf %add3A, %add3A_40 : vector<1000x128xf32>
    %max3A_42 = arith.constant 0.000000e+00 : f32
    %max3A_43 = vector.broadcast %max3A_42 : f32 to vector<1000x128xf32>
    %max3A_44 = arith.maximumf %add3A_41, %max3A_43 : vector<1000x128xf32>
    %slice3A = vector.extract_strided_slice %max3A_44 {offsets = [0, 0], sizes = [1000, 64], strides = [1, 1]} : vector<1000x128xf32> to vector<1000x64xf32>
    %swap3A = arith.constant 0 : index
    %swap3A_45 = arith.constant 0 : index
    %swap3A_46 = arith.constant 0 : index
    %swap3A_47 = vector.load %arg7[%swap3A, %swap3A_45, %swap3A_46] : memref<2x1000x64xf32, #tpu.memory_space<vmem>>, vector<1x1000x64xf32>
    %swap3A_48 = vector.shape_cast %swap3A_47 : vector<1x1000x64xf32> to vector<1000x64xf32>
    %swap3A_49 = vector.shape_cast %slice3A : vector<1000x64xf32> to vector<1x1000x64xf32>
    tpu.vector_store %arg7[%swap3A, %swap3A_45, %swap3A_46], %swap3A_49 {strides = array<i32>} : memref<2x1000x64xf32, #tpu.memory_space<vmem>>, vector<1x1000x64xf32>,
    %slice3A_50 = vector.extract_strided_slice %max3A_44 {offsets = [0, 64], sizes = [1000, 64], strides = [1, 1]} : vector<1000x128xf32> to vector<1000x64xf32>
    %swap3A_51 = arith.constant 1 : index
    %swap3A_52 = arith.constant 0 : index
    %swap3A_53 = arith.constant 0 : index
    %swap3A_54 = vector.load %arg7[%swap3A_51, %swap3A_52, %swap3A_53] : memref<2x1000x64xf32, #tpu.memory_space<vmem>>, vector<1x1000x64xf32>
    %swap3A_55 = vector.shape_cast %swap3A_54 : vector<1x1000x64xf32> to vector<1000x64xf32>
    %swap3A_56 = vector.shape_cast %slice3A_50 : vector<1000x64xf32> to vector<1x1000x64xf32>
    tpu.vector_store %arg7[%swap3A_51, %swap3A_52, %swap3A_53], %swap3A_56 {strides = array<i32>} : memref<2x1000x64xf32, #tpu.memory_space<vmem>>, vector<1x1000x64xf32>,
    return
  }
  func.func @transform_0(%arg0: i32) -> (i32, i32, i32) {
    %c0_i32 = arith.constant 0 : i32
    %c0_i32_0 = arith.constant 0 : i32
    %c0_i32_1 = arith.constant 0 : i32
    return %c0_i32, %arg0, %c0_i32_0 : i32, i32, i32
  }
  func.func @transform_1(%arg0: i32) -> (i32, i32, i32) {
    %c0_i32 = arith.constant 0 : i32
    %c0_i32_0 = arith.constant 0 : i32
    %c0_i32_1 = arith.constant 0 : i32
    return %c0_i32, %arg0, %c0_i32_0 : i32, i32, i32
  }
  func.func @transform_2(%arg0: i32) -> (i32, i32, i32) {
    %c0_i32 = arith.constant 0 : i32
    %c0_i32_0 = arith.constant 0 : i32
    %c0_i32_1 = arith.constant 0 : i32
    return %c0_i32, %arg0, %c0_i32_0 : i32, i32, i32
  }
  func.func @transform_3(%arg0: i32) -> (i32, i32) {
    %c0_i32 = arith.constant 0 : i32
    %c0_i32_0 = arith.constant 0 : i32
    %c0_i32_1 = arith.constant 0 : i32
    return %c0_i32, %c0_i32_0 : i32, i32
  }
  func.func @transform_4(%arg0: i32) -> (i32, i32) {
    %c0_i32 = arith.constant 0 : i32
    %c0_i32_0 = arith.constant 0 : i32
    %c0_i32_1 = arith.constant 0 : i32
    return %c0_i32, %c0_i32_0 : i32, i32
  }
  func.func @transform_5(%arg0: i32) -> (i32, i32) {
    %c0_i32 = arith.constant 0 : i32
    %c0_i32_0 = arith.constant 0 : i32
    %c0_i32_1 = arith.constant 0 : i32
    return %c0_i32, %c0_i32_0 : i32, i32
  }
  func.func @transform_6(%arg0: i32) -> (i32, i32, i32) {
    %c0_i32 = arith.constant 0 : i32
    %c0_i32_0 = arith.constant 0 : i32
    %c0_i32_1 = arith.constant 0 : i32
    return %c0_i32, %arg0, %c0_i32_0 : i32, i32, i32
  }
}

module attributes {stable_mosaic.version = 14 : i64} {
  func.func @_combine_body(%arg0: i32, %arg1: memref<2x1000x64xf32, #tpu.memory_space<vmem>>, %arg2: memref<1x1000x16xf32, #tpu.memory_space<vmem>>, %arg3: memref<2x1000x64xf32, #tpu.memory_space<vmem>>, %arg4: memref<128x128xf32, #tpu.memory_space<vmem>>, %arg5: memref<128x128xf32, #tpu.memory_space<vmem>>, %arg6: memref<1x128xf32, #tpu.memory_space<vmem>>, %arg7: memref<1000x128xf32, #tpu.memory_space<vmem>>) attributes {dimension_semantics = [#tpu.dimension_semantics<arbitrary>], iteration_bounds = array<i64: 10>, scalar_prefetch = 0 : i64, scratch_operands = 0 : i64, tpu.core_type = #tpu.core_type<tc>, window_params = [{transform_indices = @transform_0, window_bounds = array<i64: 2, 1000, 64>}, {transform_indices = @transform_1, window_bounds = array<i64: 1, 1000, 16>}, {transform_indices = @transform_2, window_bounds = array<i64: 2, 1000, 64>}, {pipeline_mode = #tpu.pipeline_mode<synchronous>, transform_indices = @transform_3, window_bounds = array<i64: 128, 128>}, {pipeline_mode = #tpu.pipeline_mode<synchronous>, transform_indices = @transform_4, window_bounds = array<i64: 128, 128>}, {pipeline_mode = #tpu.pipeline_mode<synchronous>, transform_indices = @transform_5, window_bounds = array<i64: 1, 128>}, {transform_indices = @transform_6, window_bounds = array<i64: 1000, 128>}]} {
    %get3A = arith.constant 0 : index
    %get3A_0 = arith.constant 0 : index
    %get3A_1 = arith.constant 0 : index
    %get3A_2 = vector.load %arg1[%get3A, %get3A_0, %get3A_1] : memref<2x1000x64xf32, #tpu.memory_space<vmem>>, vector<1x1000x64xf32>
    %get3A_3 = vector.shape_cast %get3A_2 : vector<1x1000x64xf32> to vector<1000x64xf32>
    %get3A_4 = arith.constant 1 : index
    %get3A_5 = arith.constant 0 : index
    %get3A_6 = arith.constant 0 : index
    %get3A_7 = vector.load %arg1[%get3A_4, %get3A_5, %get3A_6] : memref<2x1000x64xf32, #tpu.memory_space<vmem>>, vector<1x1000x64xf32>
    %get3A_8 = vector.shape_cast %get3A_7 : vector<1x1000x64xf32> to vector<1000x64xf32>
    %concatenate3A = tpu.concatenate %get3A_3, %get3A_8 in 1 : vector<1000x64xf32>, vector<1000x64xf32> -> vector<1000x128xf32>
    %get3A_9 = arith.constant 0 : index
    %get3A_10 = arith.constant 0 : index
    %get3A_11 = arith.constant 0 : index
    %get3A_12 = vector.load %arg3[%get3A_9, %get3A_10, %get3A_11] : memref<2x1000x64xf32, #tpu.memory_space<vmem>>, vector<1x1000x64xf32>
    %get3A_13 = vector.shape_cast %get3A_12 : vector<1x1000x64xf32> to vector<1000x64xf32>
    %get3A_14 = arith.constant 1 : index
    %get3A_15 = arith.constant 0 : index
    %get3A_16 = arith.constant 0 : index
    %get3A_17 = vector.load %arg3[%get3A_14, %get3A_15, %get3A_16] : memref<2x1000x64xf32, #tpu.memory_space<vmem>>, vector<1x1000x64xf32>
    %get3A_18 = vector.shape_cast %get3A_17 : vector<1x1000x64xf32> to vector<1000x64xf32>
    %concatenate3A_19 = tpu.concatenate %get3A_13, %get3A_18 in 1 : vector<1000x64xf32>, vector<1000x64xf32> -> vector<1000x128xf32>
    %get3A_20 = arith.constant 0 : index
    %get3A_21 = arith.constant 0 : index
    %get3A_22 = arith.constant 0 : index
    %get3A_23 = vector.load %arg2[%get3A_20, %get3A_21, %get3A_22] : memref<1x1000x16xf32, #tpu.memory_space<vmem>>, vector<1x1000x1xf32>
    %get3A_24 = vector.shape_cast %get3A_23 : vector<1x1000x1xf32> to vector<1000x1xf32>
    %max3A = arith.constant 1.000000e+00 : f32
    %max3A_25 = vector.broadcast %max3A : f32 to vector<1000x1xf32>
    %max3A_26 = arith.maximumf %get3A_24, %max3A_25 : vector<1000x1xf32>
    %div3A = vector.broadcast %max3A_26 : vector<1000x1xf32> to vector<1000x128xf32>
    %div3A_27 = arith.divf %concatenate3A, %div3A : vector<1000x128xf32>
    %get3A_28 = arith.constant 0 : index
    %get3A_29 = arith.constant 0 : index
    %get3A_30 = vector.load %arg4[%get3A_28, %get3A_29] : memref<128x128xf32, #tpu.memory_space<vmem>>, vector<128x128xf32>
    %dot_general3A = arith.constant dense<0.000000e+00> : vector<1000x128xf32>
    %dot_general3A_31 = tpu.matmul %div3A_27, %get3A_30, %dot_general3A {dimension_numbers = #tpu.dot_dimension_numbers<[1], [0], [0], [1], [0, 0, 1, 1], [], []>, transpose_lhs_hint = false} : vector<1000x128xf32>, vector<128x128xf32>, vector<1000x128xf32> -> vector<1000x128xf32>
    %get3A_32 = arith.constant 0 : index
    %get3A_33 = arith.constant 0 : index
    %get3A_34 = vector.load %arg5[%get3A_32, %get3A_33] : memref<128x128xf32, #tpu.memory_space<vmem>>, vector<128x128xf32>
    %dot_general3A_35 = arith.constant dense<0.000000e+00> : vector<1000x128xf32>
    %dot_general3A_36 = tpu.matmul %concatenate3A_19, %get3A_34, %dot_general3A_35 {dimension_numbers = #tpu.dot_dimension_numbers<[1], [0], [0], [1], [0, 0, 1, 1], [], []>, transpose_lhs_hint = false} : vector<1000x128xf32>, vector<128x128xf32>, vector<1000x128xf32> -> vector<1000x128xf32>
    %add3A = arith.addf %dot_general3A_31, %dot_general3A_36 : vector<1000x128xf32>
    %get3A_37 = arith.constant 0 : index
    %get3A_38 = arith.constant 0 : index
    %get3A_39 = vector.load %arg6[%get3A_37, %get3A_38] : memref<1x128xf32, #tpu.memory_space<vmem>>, vector<1x128xf32>
    %add3A_40 = vector.broadcast %get3A_39 : vector<1x128xf32> to vector<1000x128xf32>
    %add3A_41 = arith.addf %add3A, %add3A_40 : vector<1000x128xf32>
    %swap3A = arith.constant 0 : index
    %swap3A_42 = arith.constant 0 : index
    %swap3A_43 = vector.load %arg7[%swap3A, %swap3A_42] : memref<1000x128xf32, #tpu.memory_space<vmem>>, vector<1000x128xf32>
    tpu.vector_store %arg7[%swap3A, %swap3A_42], %add3A_41 {strides = array<i32>} : memref<1000x128xf32, #tpu.memory_space<vmem>>, vector<1000x128xf32>,
    return
  }
  func.func @transform_0(%arg0: i32) -> (i32, i32, i32) {
    %c0_i32 = arith.constant 0 : i32
    %c0_i32_0 = arith.constant 0 : i32
    %c0_i32_1 = arith.constant 0 : i32
    return %c0_i32, %arg0, %c0_i32_0 : i32, i32, i32
  }
  func.func @transform_1(%arg0: i32) -> (i32, i32, i32) {
    %c0_i32 = arith.constant 0 : i32
    %c0_i32_0 = arith.constant 0 : i32
    %c0_i32_1 = arith.constant 0 : i32
    return %c0_i32, %arg0, %c0_i32_0 : i32, i32, i32
  }
  func.func @transform_2(%arg0: i32) -> (i32, i32, i32) {
    %c0_i32 = arith.constant 0 : i32
    %c0_i32_0 = arith.constant 0 : i32
    %c0_i32_1 = arith.constant 0 : i32
    return %c0_i32, %arg0, %c0_i32_0 : i32, i32, i32
  }
  func.func @transform_3(%arg0: i32) -> (i32, i32) {
    %c0_i32 = arith.constant 0 : i32
    %c0_i32_0 = arith.constant 0 : i32
    %c0_i32_1 = arith.constant 0 : i32
    return %c0_i32, %c0_i32_0 : i32, i32
  }
  func.func @transform_4(%arg0: i32) -> (i32, i32) {
    %c0_i32 = arith.constant 0 : i32
    %c0_i32_0 = arith.constant 0 : i32
    %c0_i32_1 = arith.constant 0 : i32
    return %c0_i32, %c0_i32_0 : i32, i32
  }
  func.func @transform_5(%arg0: i32) -> (i32, i32) {
    %c0_i32 = arith.constant 0 : i32
    %c0_i32_0 = arith.constant 0 : i32
    %c0_i32_1 = arith.constant 0 : i32
    return %c0_i32, %c0_i32_0 : i32, i32
  }
  func.func @transform_6(%arg0: i32) -> (i32, i32) {
    %c0_i32 = arith.constant 0 : i32
    %c0_i32_0 = arith.constant 0 : i32
    return %arg0, %c0_i32 : i32, i32
  }
}

</mosaic_0001>

<sc_bundles>
// kernel: kernel.6.cloned.1.call-start
scs
__scs_entry_jumppad:
0x0: {  	(pc) =	sbr.rel $0x88, $3  }
0x1: {  	(tag) =	ssettag $0x0;
	lr =	simm.s32 $0x1  }
0x2: {  	[smem:$0x3F99] =	sst lr;
	_ =	strace $0xD0000000  }
0x3: {  	_ = 	snop  }
0x4: {  	_ = 	snop  }
0x5: {  	_ = 	snop  }
0x6: {  	_ = 	snop  }
0x7: {  	_ = 	snop  }
__scs_overlays_trampoline_lowered:
0x8: {  	[smem:$0x3FA8] =	sst s0  }
0x9: {  	[smem:$0x3FA9] =	sst s1  }
0xa: {  	[smem:$0x3FAA] =	sst s2  }
0xb: {  	[smem:$0x3FAB] =	sst s3  }
0xc: {  	[smem:$0x3FAC] =	sst s4  }
0xd: {  	[smem:$0x3FAD] =	sst s5  }
0xe: {  	[smem:$0x3FAE] =	sst s6  }
0xf: {  	[smem:$0x3FAF] =	sst s7  }
0x10: {  	[smem:$0x3FB0] =	sst s8  }
0x11: {  	[smem:$0x3FB1] =	sst s9;
	s0 =	simm.s32 @!p0 $0x0  }
0x12: {  	s1 =	sld [smem:$0x3F97];
	s0 =	simm.s32 @p0 $0x1  }
0x13: {  	[smem:$0x3FB2] =	sst s0;
	s0 =	simm.s32 @!p1 $0x0  }
0x14: {  	s2 =	sld [smem:$0x3F96];
	s0 =	simm.s32 @p1 $0x1  }
0x15: {  	[smem:$0x3FB3] =	sst s0;
	s0 =	simm.s32 @!p2 $0x0  }
0x16: {  	s3 =	sld [smem:$0x3FDB];
	s0 =	simm.s32 @p2 $0x1  }
0x17: {  	s4 =	simm.s32 $0x1BF5;
	[smem:$0x3FB5] =	sst s0  }
0x18: {  	s0 =	sld [smem:$0x3F98];
	_ =	swait.ge [sflag:s4], $0x0  }
0x19: {  	s7 =	sld [smem:$0x3F99]  }
0x1a: {  	s8 =	sadd.s32 $0xFFFFE003, lr  }
0x1b: {  	s9 =	sadd.s32 $0xFFFFFEF7, lr;
	s5 =	simm.s32 $0xFFFFFFFF;
	p2 =	slt.u32 s8, $0xFFFFF086  }
0x1c: {  	p1 =	slt.u32 s9, $0xF7A;
	s5 =	simm.s32 @!p2 $0x0  }
0x1d: {  	s5 =	simm.s32 @p1 $0x1;
	p0 =	seq.s32 s7, s2  }
0x1e: {  	s7 =	smul.u32 @!p0 $0xF7A, s2;
	p2 =	seq.s32 @!p0 s5, $0x0  }
0x1f: {  	s9 =	smul.u32 $0xF7A, s1;
	s8 =	simm.s32 @!p0 $0x1BF5;
	p2 =	por !p2, p0  }
0x20: {  	[sflag:s8] =	ssyncset.s32 @!p0 $0xFFFFF086;
	s6 =	sadd.s32 @!p0 s3, s7;
	s7 =	simm.s32 @!p0 $0x108  }
0x21: {  	s3 =	sadd.s32 s3, s9;
	s6 =	sadd.s32 @!p0 $0x88, s6;
	s7 =	simm.s32 @p2 $0x1082  }
0x22: {  	[simem:s7], [sflag:s8] =	dma.local @!p0 [hbm:s6], $0xF7A  }
0x23: {  	s9 =	sor.u32 $0xD0000000, s2;
	s6 =	simm.s32 $0x108;
	_ =	swait.ge @!p0 [sflag:s8], $0x0  }
0x24: {  	s3 =	sadd.s32 $0x88, s3;
	s6 =	simm.s32 @!p1 $0x1082;
	[sflag:s4] =	ssyncset.s32 $0xFFFFF086  }
0x25: {  	[simem:s6], [sflag:s4] =	dma.local [hbm:s3], $0xF7A  }
0x26: {  	[smem:$0x3F99] =	sst s1;
	(tag) =	ssettag s2;
	_ =	strace s9  }
0x27: {  	s1 =	sld [smem:$0x3FA9]  }
0x28: {  	s2 =	sld [smem:$0x3FAA]  }
0x29: {  	s4 =	sld [smem:$0x3FAC]  }
0x2a: {  	p0 =	seq.s32 s5, $0x0;
	s5 =	sld [smem:$0x3FAD]  }
0x2b: {  	s6 =	sld [smem:$0x3FAE]  }
0x2c: {  	s7 =	sld [smem:$0x3FAF]  }
0x2d: {  	s3 =	simm.s32 $0x108;
	s8 =	sld [smem:$0x3FB0]  }
0x2e: {  	s3 =	simm.s32 @!p0 $0x1082;
	s9 =	sld [smem:$0x3FB1]  }
0x2f: {  	lr =	sadd.s32 s0, s3;
	s0 =	sld [smem:$0x3FA8]  }
0x30: {  	s3 =	sld [smem:$0x3FAB]  }
0x31: {  	[smem:$0x3FB4] =	sst s10  }
0x32: {  	s10 =	sld [smem:$0x3FB2];
	_ =	sdelay $0x3  }
0x33: {  	p0 =	seq.s32 s10, $0x1;
	s10 =	sld [smem:$0x3FB4];
	_ =	sdelay $0x3  }
0x34: {  	[smem:$0x3FB4] =	sst s10  }
0x35: {  	s10 =	sld [smem:$0x3FB3];
	_ =	sdelay $0x3  }
0x36: {  	p1 =	seq.s32 s10, $0x1;
	s10 =	sld [smem:$0x3FB4];
	_ =	sdelay $0x3  }
0x37: {  	[smem:$0x3FB4] =	sst s10  }
0x38: {  	s10 =	sld [smem:$0x3FB5]  }
0x39: {  	_ = 	snop;
	(pc) =	sbr.ind lr, $3  }
0x3a: {  	_ = 	snop  }
0x3b: {  	_ = 	snop  }
0x3c: {  	p2 =	seq.s32 s10, $0x1;
	s10 =	sld [smem:$0x3FB4]  }
0x3d: {  	_ =	shalt  }
0x3e: {  	_ =	shalt  }
0x3f: {  	_ =	shalt  }
0x40: {  	_ =	shalt  }
0x41: {  	_ =	shalt  }
0x42: {  	_ =	shalt  }
0x43: {  	_ =	shalt  }
0x44: {  	_ =	shalt  }
0x45: {  	_ =	shalt  }
0x46: {  	_ =	shalt  }
0x47: {  	_ =	shalt  }
0x48: {  	_ =	shalt  }
0x49: {  	_ =	shalt  }
0x4a: {  	_ =	shalt  }
0x4b: {  	_ =	shalt  }
0x4c: {  	_ =	shalt  }
0x4d: {  	_ =	shalt  }
0x4e: {  	_ =	shalt  }
0x4f: {  	_ =	shalt  }
0x50: {  	_ =	shalt  }
0x51: {  	_ =	shalt  }
0x52: {  	_ =	shalt  }
0x53: {  	_ =	shalt  }
0x54: {  	_ =	shalt  }
0x55: {  	_ =	shalt  }
0x56: {  	_ =	shalt  }
0x57: {  	_ =	shalt  }
0x58: {  	_ =	shalt  }
0x59: {  	_ =	shalt  }
0x5a: {  	_ =	shalt  }
0x5b: {  	_ =	shalt  }
0x5c: {  	_ =	shalt  }
0x5d: {  	_ =	shalt  }
0x5e: {  	_ =	shalt  }
0x5f: {  	_ =	shalt  }
0x60: {  	_ =	shalt  }
0x61: {  	_ =	shalt  }
0x62: {  	_ =	shalt  }
0x63: {  	_ =	shalt  }
0x64: {  	_ =	shalt  }
0x65: {  	_ =	shalt  }
0x66: {  	_ =	shalt  }
0x67: {  	_ =	shalt  }
0x68: {  	_ =	shalt  }
0x69: {  	_ =	shalt  }
0x6a: {  	_ =	shalt  }
0x6b: {  	_ =	shalt  }
0x6c: {  	_ =	shalt  }
0x6d: {  	_ =	shalt  }
0x6e: {  	_ =	shalt  }
0x6f: {  	_ =	shalt  }
0x70: {  	_ =	shalt  }
0x71: {  	_ =	shalt  }
0x72: {  	_ =	shalt  }
0x73: {  	_ =	shalt  }
0x74: {  	_ =	shalt  }
0x75: {  	_ =	shalt  }
0x76: {  	_ =	shalt  }
0x77: {  	_ =	shalt  }
0x78: {  	_ =	shalt  }
0x79: {  	_ =	shalt  }
0x7a: {  	_ =	shalt  }
0x7b: {  	_ =	shalt  }
0x7c: {  	_ =	shalt  }
0x7d: {  	_ =	shalt  }
0x7e: {  	_ =	shalt  }
0x7f: {  	_ =	shalt  }
0x80: {  	_ =	shalt  }
0x81: {  	_ =	shalt  }
0x82: {  	_ =	shalt  }
0x83: {  	_ =	shalt  }
0x84: {  	_ =	shalt  }
0x85: {  	_ =	shalt  }
0x86: {  	_ =	shalt  }
0x87: {  	_ =	shalt  }
.Lfunc_end0:
.L_simem_size_0:
called_computation_lowered:
.L_overlay_start_0:
0x88: {  	s2 =	sld [smem:$0x3FD9]  }
0x89: {  	s3 =	sld [smem:$0x3FFE];
	_ =	sdelay $0x1  }
0x8a: {  	s1 =	srdreg.scid  }
0x8b: {  	s0 =	sand.u32 $0x1, s1  }
0x8c: {  	s17 =	sshll.u32 s0, $0xA;
	s2 =	sadd.s32 s3, s2  }
0x8d: {  	s2 =	sadd.s32 s2, s17  }
0x8e: {  	[smem:$0x3FC0] =	sst s2  }
0x8f: {  	_ = 	snop  }
0x90: {  	s2 =	sld [smem:$0x3FD0];
	(tm) =	ssettm $0x1  }
0x91: {  	s18 =	sld [smem:$0x3FFB];
	_ =	sdelay $0x3  }
0x92: {  	_ =	strace s18  }
0x93: {  	s3 =	sld [smem:$0x3FFC];
	_ =	sdelay $0x3  }
0x94: {  	_ =	strace s3  }
0x95: {  	s3 =	sld [smem:$0x3FFD];
	_ =	sdelay $0x3  }
0x96: {  	_ =	strace s3  }
0x97: {  	_ =	strace $0x8FFFFFFF  }
0x98: {  	s19 =	sld [smem:$0x3FDB];
	_ =	sdelay $0x1  }
0x99: {  	s4 =	simm.s32 $_scs_section_size  }
0x9a: {  	s5 =	simm.s32 $_size__tile_overlayer_lowered;
	s6 =	simm.s32 $_tile_overlayer_lowered  }
0x9b: {  	s22 =	simm.s32 $0x1BFF;
	s21 =	sshll.u32 s6, $0x1;
	s3 =	sadd.s32 s4, s19  }
0x9c: {  	s7 =	simm.s32 $0x0;
	s20 =	sshll.u32 s5, $0x1;
	s5 =	sadd.s32 s21, s3  }
0x9d: {  	[timem:s7], [sflag:s22] =	dma.local [hbm:s5], s20  }
0x9e: {  	_ =	swait.ge [sflag:s22], s20  }
0x9f: {  	s4 =	ssub.s32 $0x0, s20;
	[sflag:s22] =	ssyncset.done $0x0  }
0xa0: {  	[sflag:s22] =	ssyncadd.s32 s4;
	_ =	sdelay $0x1  }
0xa1: {  	s23 =	simm.s32 $0x1B8B  }
0xa2: {  	_ =	swait.ge [sflag:s23], $0x1  }
0xa3: {  	[sflag:s23] =	ssyncset.done $0x0  }
0xa4: {  	s25 =	simm.s32 $0x1B8E;
	s24 =	sld [smem:$0x3FFE];
	[sflag:s23] =	ssyncadd.s32 $0xFFFFFFFF  }
0xa5: {  	s26 =	simm.s32 $execute0_lowered;
	[smem:$0x3FD2] =	sst s25  }
0xa6: {  	s5 =	sshll.u32 s26, $0x1;
	_ =	strace $0x80000046;
	[dreg:$0x1] =	wrdreg $0xFFFFFFFF  }
0xa7: {  	s28 =	simm.s32 $_size_execute0_lowered;
	s3 =	sadd.s32 s3, s5;
	[dreg:$0x0] =	wrdreg $0x0  }
0xa8: {  	s5 =	sshll.u32 s28, $0x1;
	[dreg:$0x2] =	wrdreg s3  }
0xa9: {  	[dreg:$0x3] =	wrdreg s5  }
0xaa: {  	[dreg:$0x4] =	wrdreg $0xC0  }
0xab: {  	_ =	task [dreg:s7], $0x5FFFF  }
0xac: {  	[dreg:$0x1] =	wrdreg $0xFFFFFFFF  }
0xad: {  	[dreg:$0x0] =	wrdreg $0x60  }
0xae: {  	[dreg:$0x2] =	wrdreg s2  }
0xaf: {  	[dreg:$0x3] =	wrdreg s24  }
0xb0: {  	[dreg:$0x4] =	wrdreg $0xB5400  }
0xb1: {  	[dreg:$0x5] =	wrdreg $0x153400  }
0xb2: {  	[dreg:$0x6] =	wrdreg $0x9  }
0xb3: {  	_ =	task.clear_ibuf [dreg:s7], $0x7FFFF;
	_ =	strace $0x90000046  }
0xb4: {  	s29 =	simm.s32 $0x9;
	_ =	strace $0x80000048  }
0xb5: {  	_ =	swait.ge [sflag:s29], $0x1  }
0xb6: {  	[sflag:s29] =	ssyncadd.s32 $0xFFFFFFFF  }
0xb7: {  	_ =	strace $0x90000048  }
0xb8: {  	_ =	sfence  }
0xb9: {  	s30 =	sld [smem:$0x0];
	_ =	sdelay $0x2  }
0xba: {  	s31 =	sshll.u32 s1, $0xD;
	s1 =	sshrl.u32 s1, $0x2  }
0xbb: {  	s3 =	sand.u32 $0x4000, s31;
	s1 =	sadd.s32 s1, s30  }
0xbc: {  	s0 =	sor.u32 s3, s0;
	s1 =	sshll.u32 s1, $0x11  }
0xbd: {  	s0 =	sor.u32 s1, s0  }
0xbe: {  	s0 =	sadd.s32 $0x8F2B, s0  }
0xbf: {  	[sflag:s0] =	ssyncadd.remote.s32 $0x1  }
0xc0: {  	_ =	sfence.sel $0xFFFF  }
0xc1: {  	[dreg:$0x0] =	wrdreg $0xFFFFFFFF;
	(pc) =	sbr.abs _section_cstart, $3  }
0xc2: {  	[dreg:$0x1] =	wrdreg $0xFFFFFFFF  }
0xc3: {  	_ =	task.clear_ibuf [dreg:s7], $0x2FFFF;
	_ =	strace $0x9FFFFFFF  }
0xc4: {  	(tm) =	ssettm $0x7FFFFFFF  }
0xc5: {  	_ =	shalt  }
tec
execute0_lowered:
.L_overlay_start_1:
0x0: {  	(tag) =	ssettag $0x1  }
0x1: {  	s11 =	rddreg [dreg:$0x0]  }
0x2: {  	s6 =	rddreg [dreg:$0x1]  }
0x3: {  	s2 =	rddreg [dreg:$0x2]  }
0x4: {  	s3 =	rddreg [dreg:$0x3]  }
0x5: {  	s1 =	stileid.u32;
	s0 =	rddreg [dreg:$0x4];
	s4 =	simm.s32 $0x0  }
0x6: {  	s8 =	srdreg.scid;
	s19 =	simm.s32 $0x4E20;
	s5 =	smul.u32 $0x9C4, s1  }
0x7: {  	s20 =	simm.s32 $0x50;
	s21 =	simm.s32 $0x9C40;
	s7 =	smul.u32 $0x9E00, s1  }
0x8: {  	s22 =	simm.s32 $0x0;
	s9 =	smul.u32 $0x2780, s1;
	s8 =	sand.u32 $0x1, s8  }
0x9: {  	[smem:$0x7FF] =	sst s4;
	s30 =	sshll.u32 s1, $0x6;
	s12 =	smul.u32 $0x9E000, s8  }
0xa: {  	_ =	strace $0x80000047;
	s14 =	smul.u32 $0x27800, s8;
	s16 =	ssub.s32 $0x2, s8  }
0xb: {  	s31 =	smul.u32 $0x13880, s8;
	s10 =	sadd.s32 s5, s6;
	s28 =	sshrl.u32 s7, $0x3  }
0xc: {  	s13 =	sshrl.u32 s9, $0x3;
	s5 =	sadd.s32 $0x7C600, s6;
	s17 =	sshrl.u32 s16, $0x1  }
0xd: {  	s29 =	sadd.s32 s7, s2;
	s18 =	sadd.s32 s9, s3;
	s15 =	sadd.s32 s28, s6  }
0xe: {  	s13 =	sadd.s32 s13, s6;
	s12 =	sadd.s32 s7, s12;
	s14 =	sadd.s32 s9, s14  }
0xf: {  	s16 =	ssub.s32 s16, s17;
	s7 =	sor.u32 $0x1C01, s30;
	s9 =	sadd.s32 $0x59C00, s10  }
0x10: {  	s10 =	sadd.s32 $0x4FE00, s10;
	s11 =	sadd.s32 s11, s31;
	s17 =	sshrl.u32 s18, $0x3  }
0x11: {  	s18 =	simm.s32 $0xB040;
	s12 =	sshrl.u32 s12, $0x3;
	s14 =	sshrl.u32 s14, $0x3  }
0x12: {  	s8 =	sadd.s32 $0x77600, s13;
	s12 =	sadd.s32 s12, s6;
	s14 =	sadd.s32 s14, s6  }
0x13: {  	s6 =	sadd.s32 $0x63A00, s15;
	s15 =	sshrl.u32 s29, $0x3;
	s12 =	sadd.s32 $0x86600, s12  }
0x14: {  	s13 =	sadd.s32 $0x7C800, s14;
	s14 =	smax.u32 s16, $0x1;
	s16 =	simm.s32 $0x1  }
.LBB2_1:
0x15: {  	[spmem:s15], [sflag:s7] =	dma.local [hbm:s6], $0x13C0  }
0x16: {  	_ =	swait.ge [sflag:s16], $0x13C0  }
0x17: {  	[sflag:s16] =	ssyncset.done $0x0  }
0x18: {  	[sflag:s16] =	ssyncadd.s32 $0xFFFFEC40  }
0x19: {  	[spmem:s17], [sflag:s7] =	dma.local [hbm:s8], $0x4F0  }
0x1a: {  	_ =	swait.ge [sflag:s16], $0x4F0  }
0x1b: {  	[sflag:s16] =	ssyncset.done $0x0  }
0x1c: {  	[sflag:s16] =	ssyncadd.s32 $0xFFFFFB10  }
0x1d: {  	[tilespmem:s18], [sflag:$0x1] =	stream.linear.gather [hbm4b:s5+s4], $0x500, $0x38;
	[tilespmem:$0x17AC0] =	vst v63  }
0x1e: {  	_ =	swait.ge [sflag:s16], $0x500  }
0x1f: {  	[sflag:s16] =	ssyncset.done $0x0  }
0x20: {  	[sflag:s16] =	ssyncadd.s32 $0xFFFFFB00  }
0x21: {  	[tilespmem:s4], [sflag:$0x1] =	stream.linear.gather [hbm4b:s9+s4], $0x4E20, $0x38;
	[tilespmem:$0x17AC0] =	vst v63  }
0x22: {  	_ =	swait.ge [sflag:s16], $0x4E20  }
0x23: {  	[sflag:s16] =	ssyncset.done $0x0  }
0x24: {  	[sflag:s16] =	ssyncadd.s32 $0xFFFFB1E0  }
0x25: {  	[tilespmem:s19], [sflag:$0x1] =	stream.linear.gather [hbm4b:s10+s4], $0x4E20, $0x38;
	[tilespmem:$0x17AC0] =	vst v63  }
0x26: {  	_ =	swait.ge [sflag:s16], $0x4E20  }
0x27: {  	[sflag:s16] =	ssyncset.done $0x0  }
0x28: {  	[sflag:s16] =	ssyncadd.s32 $0xFFFFB1E0  }
0x29: {  	s23 =	simm.s32 $0x0;
	[bflag:$0x0] =	sbarrier.arrive $0xFFFF  }
0x2a: {  	[tilespmem:s21], [sflag:$0x1] =	stream.indirect.gather [hbm4b:s11+s20], $0x40, s23, s20, $0xb8;
	[tilespmem:$0x17AC0] =	vst v63  }
0x2b: {  	_ =	swait.ge [sflag:s16], $0x1400  }
0x2c: {  	[sflag:s16] =	ssyncset.done $0x0  }
0x2d: {  	s31 =	simm.s32 $0x4E20;
	[sflag:s16] =	ssyncadd.s32 $0xFFFFEC00  }
0x2e: {  	[spmem:s2] =	stream.indirect.scatter.add.f32 [tilespmem:s21], [sflag:$0x1], $0x40, s31, s20, $0xb8;
	[tilespmem:$0x17AC0] =	vst v63  }
0x2f: {  	_ =	swait.ge [sflag:s16], $0x1400  }
0x30: {  	[sflag:s16] =	ssyncset.done $0x0  }
0x31: {  	[sflag:s16] =	ssyncadd.s32 $0xFFFFEC00  }
0x32: {  	[spmem:s3] =	stream.indirect.scatter.add.f32 [tilespmem:s18], [sflag:$0x1], $0x10, s31, s20, $0xb8;
	[tilespmem:$0x17AC0] =	vst v63  }
0x33: {  	_ =	swait.ge [sflag:s16], $0x500  }
0x34: {  	s24 =	simm.s32 $0x280;
	s23 =	simm.s32 $0x140;
	[sflag:s16] =	ssyncset.done $0x0  }
.LBB2_2:
0x35: {  	s25 =	sshra.s32 s23, $0x2  }
0x36: {  	[sflag:s16] =	ssyncadd.s32 $0xFFFFFB00;
	s23 =	smov.u32 s24;
	s26 =	sadd.s32 $0x140, s24  }
0x37: {  	[tilespmem:s21], [sflag:$0x1] =	stream.indirect.gather [hbm4b:s11+s20], $0x40, s25, s20, $0xb8;
	[tilespmem:$0x17AC0] =	vst v63  }
0x38: {  	p0 =	sne.s32 s24, $0x13740;
	_ =	swait.ge [sflag:s16], $0x1400  }
0x39: {  	[sflag:s16] =	ssyncset.done $0x0  }
0x3a: {  	s24 =	sadd.s32 $0x4E20, s25;
	[sflag:s16] =	ssyncadd.s32 $0xFFFFEC00  }
0x3b: {  	[spmem:s2] =	stream.indirect.scatter.add.f32 [tilespmem:s21], [sflag:$0x1], $0x40, s24, s20, $0xb8;
	[tilespmem:$0x17AC0] =	vst v63  }
0x3c: {  	_ =	swait.ge [sflag:s16], $0x1400  }
.Ltmp0:
0x3d: {  	[sflag:s16] =	ssyncset.done $0x0;
	(pc) =	sbr.rel @p0 .LBB2_2-.Ltmp0, $4  }
0x3e: {  	[sflag:s16] =	ssyncadd.s32 $0xFFFFEC00  }
0x3f: {  	[spmem:s3] =	stream.indirect.scatter.add.f32 [tilespmem:s18], [sflag:$0x1], $0x10, s24, s20, $0xb8;
	[tilespmem:$0x17AC0] =	vst v63  }
0x40: {  	_ =	swait.ge [sflag:s16], $0x500  }
0x41: {  	s24 =	smov.u32 s26;
	[sflag:s16] =	ssyncset.done $0x0  }
0x42: {  	s23 =	sshra.s32 s23, $0x2;
	[sflag:s16] =	ssyncadd.s32 $0xFFFFFB00  }
0x43: {  	[tilespmem:s21], [sflag:$0x1] =	stream.indirect.gather [hbm4b:s11+s20], $0x40, s23, s20, $0xb8;
	[tilespmem:$0x17AC0] =	vst v63  }
0x44: {  	_ =	swait.ge [sflag:s16], $0x1400  }
0x45: {  	[sflag:s16] =	ssyncset.done $0x0  }
0x46: {  	s23 =	sadd.s32 $0x4E20, s23;
	[sflag:s16] =	ssyncadd.s32 $0xFFFFEC00  }
0x47: {  	[spmem:s2] =	stream.indirect.scatter.add.f32 [tilespmem:s21], [sflag:$0x1], $0x40, s23, s20, $0xb8;
	[tilespmem:$0x17AC0] =	vst v63  }
0x48: {  	_ =	swait.ge [sflag:s16], $0x1400  }
0x49: {  	[sflag:s16] =	ssyncset.done $0x0  }
0x4a: {  	[sflag:s16] =	ssyncadd.s32 $0xFFFFEC00  }
0x4b: {  	[spmem:s3] =	stream.indirect.scatter.add.f32 [tilespmem:s18], [sflag:$0x1], $0x10, s23, s20, $0xb8;
	[tilespmem:$0x17AC0] =	vst v63  }
0x4c: {  	_ =	swait.ge [sflag:s16], $0x500  }
0x4d: {  	[sflag:s16] =	ssyncset.done $0x0  }
0x4e: {  	[sflag:s16] =	ssyncadd.s32 $0xFFFFFB00  }
0x4f: {  	[bflag:$0x0] =	sbarrier.arrive $0xFFFF  }
0x50: {  	[hbm:s12], [sflag:s7] =	dma.local [spmem:s15], $0x13C0  }
0x51: {  	s22 =	sadd.s32 $0x1, s22;
	_ =	swait.ge [sflag:s16], $0x13C0  }
0x52: {  	p0 =	sne.s32 s22, s14;
	[sflag:s16] =	ssyncset.done $0x0  }
.Ltmp1:
0x53: {  	[sflag:s16] =	ssyncadd.s32 $0xFFFFEC40;
	(pc) =	sbr.rel @p0 .LBB2_1-.Ltmp1, $4  }
0x54: {  	[hbm:s13], [sflag:s7] =	dma.local [spmem:s17], $0x4F0  }
0x55: {  	_ =	swait.ge [sflag:s16], $0x4F0  }
0x56: {  	[sflag:s16] =	ssyncset.done $0x0  }
0x57: {  	[sflag:s16] =	ssyncadd.s32 $0xFFFFFB10  }
0x58: {  	_ =	sfence.sel $0x180000  }
0x59: {  	[bflag:$0x0] =	sbarrier.arrive $0xFFFF  }
0x5a: {  	p0 =	sne.s32 s1, $0x0;
	_ =	strace $0x90000047  }
0x5b: {  	s0 =	sadd.s32 @!p0 $0x100000, s0;
	[bflag:$0x2] =	sbarrier.arrive $0xFFFF  }
0x5c: {  	[sflag:s0] =	ssyncadd.tile.s32 @!p0 $0x1;
	_ =	shalt  }
.Lfunc_end2:
_tile_overlayer_lowered:
.L_overlay_start_2:
0x5d: {  	(tag) =	ssettag $0x2  }
0x5e: {  	s0 =	rddreg [dreg:$0x0];
	s2 =	stileid.u32  }
0x5f: {  	s1 =	rddreg [dreg:$0x1];
	p0 =	sne.s32 s2, $0x0  }
0x60: {  	s3 =	rddreg [dreg:$0x2];
	[bflag:$0x3] =	sbarrier.arrive $0xFFFF;
	s2 =	simm.s32 @!p0 $0x1C01  }
0x61: {  	[timem:s3], [sflag:s2] =	dma.local @!p0 [hbm:s0], s1  }
0x62: {  	s0 =	simm.s32 @!p0 $0x1  }
0x63: {  	_ =	swait.ge @!p0 [sflag:s0], s1  }
0x64: {  	s1 =	ssub.s32 @!p0 $0x0, s1;
	[sflag:s0] =	ssyncset.done @!p0 $0x0  }
0x65: {  	[sflag:s0] =	ssyncadd.s32 @!p0 s1  }
0x66: {  	[bflag:$0x3] =	sbarrier.arrive $0xFFFF  }
0x67: {  	_ =	shalt  }

// kernel: kernel.9.cloned.1.call-start
scs
__scs_entry_jumppad:
0x0: {  	(pc) =	sbr.rel $0x88, $3  }
0x1: {  	(tag) =	ssettag $0x0;
	lr =	simm.s32 $0x1  }
0x2: {  	[smem:$0x3F99] =	sst lr;
	_ =	strace $0xD0000000  }
0x3: {  	_ = 	snop  }
0x4: {  	_ = 	snop  }
0x5: {  	_ = 	snop  }
0x6: {  	_ = 	snop  }
0x7: {  	_ = 	snop  }
__scs_overlays_trampoline_lowered:
0x8: {  	[smem:$0x3FA8] =	sst s0  }
0x9: {  	[smem:$0x3FA9] =	sst s1  }
0xa: {  	[smem:$0x3FAA] =	sst s2  }
0xb: {  	[smem:$0x3FAB] =	sst s3  }
0xc: {  	[smem:$0x3FAC] =	sst s4  }
0xd: {  	[smem:$0x3FAD] =	sst s5  }
0xe: {  	[smem:$0x3FAE] =	sst s6  }
0xf: {  	[smem:$0x3FAF] =	sst s7  }
0x10: {  	[smem:$0x3FB0] =	sst s8  }
0x11: {  	[smem:$0x3FB1] =	sst s9;
	s0 =	simm.s32 @!p0 $0x0  }
0x12: {  	s1 =	sld [smem:$0x3F97];
	s0 =	simm.s32 @p0 $0x1  }
0x13: {  	[smem:$0x3FB2] =	sst s0;
	s0 =	simm.s32 @!p1 $0x0  }
0x14: {  	s2 =	sld [smem:$0x3F96];
	s0 =	simm.s32 @p1 $0x1  }
0x15: {  	[smem:$0x3FB3] =	sst s0;
	s0 =	simm.s32 @!p2 $0x0  }
0x16: {  	s3 =	sld [smem:$0x3FDB];
	s0 =	simm.s32 @p2 $0x1  }
0x17: {  	s4 =	simm.s32 $0x1BF5;
	[smem:$0x3FB5] =	sst s0  }
0x18: {  	s0 =	sld [smem:$0x3F98];
	_ =	swait.ge [sflag:s4], $0x0  }
0x19: {  	s7 =	sld [smem:$0x3F99]  }
0x1a: {  	s8 =	sadd.s32 $0xFFFFE003, lr  }
0x1b: {  	s9 =	sadd.s32 $0xFFFFFEF7, lr;
	s5 =	simm.s32 $0xFFFFFFFF;
	p2 =	slt.u32 s8, $0xFFFFF086  }
0x1c: {  	p1 =	slt.u32 s9, $0xF7A;
	s5 =	simm.s32 @!p2 $0x0  }
0x1d: {  	s5 =	simm.s32 @p1 $0x1;
	p0 =	seq.s32 s7, s2  }
0x1e: {  	s7 =	smul.u32 @!p0 $0xF7A, s2;
	p2 =	seq.s32 @!p0 s5, $0x0  }
0x1f: {  	s9 =	smul.u32 $0xF7A, s1;
	s8 =	simm.s32 @!p0 $0x1BF5;
	p2 =	por !p2, p0  }
0x20: {  	[sflag:s8] =	ssyncset.s32 @!p0 $0xFFFFF086;
	s6 =	sadd.s32 @!p0 s3, s7;
	s7 =	simm.s32 @!p0 $0x108  }
0x21: {  	s3 =	sadd.s32 s3, s9;
	s6 =	sadd.s32 @!p0 $0x88, s6;
	s7 =	simm.s32 @p2 $0x1082  }
0x22: {  	[simem:s7], [sflag:s8] =	dma.local @!p0 [hbm:s6], $0xF7A  }
0x23: {  	s9 =	sor.u32 $0xD0000000, s2;
	s6 =	simm.s32 $0x108;
	_ =	swait.ge @!p0 [sflag:s8], $0x0  }
0x24: {  	s3 =	sadd.s32 $0x88, s3;
	s6 =	simm.s32 @!p1 $0x1082;
	[sflag:s4] =	ssyncset.s32 $0xFFFFF086  }
0x25: {  	[simem:s6], [sflag:s4] =	dma.local [hbm:s3], $0xF7A  }
0x26: {  	[smem:$0x3F99] =	sst s1;
	(tag) =	ssettag s2;
	_ =	strace s9  }
0x27: {  	s1 =	sld [smem:$0x3FA9]  }
0x28: {  	s2 =	sld [smem:$0x3FAA]  }
0x29: {  	s4 =	sld [smem:$0x3FAC]  }
0x2a: {  	p0 =	seq.s32 s5, $0x0;
	s5 =	sld [smem:$0x3FAD]  }
0x2b: {  	s6 =	sld [smem:$0x3FAE]  }
0x2c: {  	s7 =	sld [smem:$0x3FAF]  }
0x2d: {  	s3 =	simm.s32 $0x108;
	s8 =	sld [smem:$0x3FB0]  }
0x2e: {  	s3 =	simm.s32 @!p0 $0x1082;
	s9 =	sld [smem:$0x3FB1]  }
0x2f: {  	lr =	sadd.s32 s0, s3;
	s0 =	sld [smem:$0x3FA8]  }
0x30: {  	s3 =	sld [smem:$0x3FAB]  }
0x31: {  	[smem:$0x3FB4] =	sst s10  }
0x32: {  	s10 =	sld [smem:$0x3FB2];
	_ =	sdelay $0x3  }
0x33: {  	p0 =	seq.s32 s10, $0x1;
	s10 =	sld [smem:$0x3FB4];
	_ =	sdelay $0x3  }
0x34: {  	[smem:$0x3FB4] =	sst s10  }
0x35: {  	s10 =	sld [smem:$0x3FB3];
	_ =	sdelay $0x3  }
0x36: {  	p1 =	seq.s32 s10, $0x1;
	s10 =	sld [smem:$0x3FB4];
	_ =	sdelay $0x3  }
0x37: {  	[smem:$0x3FB4] =	sst s10  }
0x38: {  	s10 =	sld [smem:$0x3FB5]  }
0x39: {  	_ = 	snop;
	(pc) =	sbr.ind lr, $3  }
0x3a: {  	_ = 	snop  }
0x3b: {  	_ = 	snop  }
0x3c: {  	p2 =	seq.s32 s10, $0x1;
	s10 =	sld [smem:$0x3FB4]  }
0x3d: {  	_ =	shalt  }
0x3e: {  	_ =	shalt  }
0x3f: {  	_ =	shalt  }
0x40: {  	_ =	shalt  }
0x41: {  	_ =	shalt  }
0x42: {  	_ =	shalt  }
0x43: {  	_ =	shalt  }
0x44: {  	_ =	shalt  }
0x45: {  	_ =	shalt  }
0x46: {  	_ =	shalt  }
0x47: {  	_ =	shalt  }
0x48: {  	_ =	shalt  }
0x49: {  	_ =	shalt  }
0x4a: {  	_ =	shalt  }
0x4b: {  	_ =	shalt  }
0x4c: {  	_ =	shalt  }
0x4d: {  	_ =	shalt  }
0x4e: {  	_ =	shalt  }
0x4f: {  	_ =	shalt  }
0x50: {  	_ =	shalt  }
0x51: {  	_ =	shalt  }
0x52: {  	_ =	shalt  }
0x53: {  	_ =	shalt  }
0x54: {  	_ =	shalt  }
0x55: {  	_ =	shalt  }
0x56: {  	_ =	shalt  }
0x57: {  	_ =	shalt  }
0x58: {  	_ =	shalt  }
0x59: {  	_ =	shalt  }
0x5a: {  	_ =	shalt  }
0x5b: {  	_ =	shalt  }
0x5c: {  	_ =	shalt  }
0x5d: {  	_ =	shalt  }
0x5e: {  	_ =	shalt  }
0x5f: {  	_ =	shalt  }
0x60: {  	_ =	shalt  }
0x61: {  	_ =	shalt  }
0x62: {  	_ =	shalt  }
0x63: {  	_ =	shalt  }
0x64: {  	_ =	shalt  }
0x65: {  	_ =	shalt  }
0x66: {  	_ =	shalt  }
0x67: {  	_ =	shalt  }
0x68: {  	_ =	shalt  }
0x69: {  	_ =	shalt  }
0x6a: {  	_ =	shalt  }
0x6b: {  	_ =	shalt  }
0x6c: {  	_ =	shalt  }
0x6d: {  	_ =	shalt  }
0x6e: {  	_ =	shalt  }
0x6f: {  	_ =	shalt  }
0x70: {  	_ =	shalt  }
0x71: {  	_ =	shalt  }
0x72: {  	_ =	shalt  }
0x73: {  	_ =	shalt  }
0x74: {  	_ =	shalt  }
0x75: {  	_ =	shalt  }
0x76: {  	_ =	shalt  }
0x77: {  	_ =	shalt  }
0x78: {  	_ =	shalt  }
0x79: {  	_ =	shalt  }
0x7a: {  	_ =	shalt  }
0x7b: {  	_ =	shalt  }
0x7c: {  	_ =	shalt  }
0x7d: {  	_ =	shalt  }
0x7e: {  	_ =	shalt  }
0x7f: {  	_ =	shalt  }
0x80: {  	_ =	shalt  }
0x81: {  	_ =	shalt  }
0x82: {  	_ =	shalt  }
0x83: {  	_ =	shalt  }
0x84: {  	_ =	shalt  }
0x85: {  	_ =	shalt  }
0x86: {  	_ =	shalt  }
0x87: {  	_ =	shalt  }
.Lfunc_end0:
.L_simem_size_0:
called_computation.1_lowered:
.L_overlay_start_0:
0x88: {  	s2 =	sld [smem:$0x3FD9]  }
0x89: {  	s3 =	sld [smem:$0x3FFE];
	_ =	sdelay $0x1  }
0x8a: {  	s1 =	srdreg.scid  }
0x8b: {  	s0 =	sand.u32 $0x1, s1  }
0x8c: {  	s17 =	sshll.u32 s0, $0xA;
	s2 =	sadd.s32 s3, s2  }
0x8d: {  	s2 =	sadd.s32 s2, s17  }
0x8e: {  	[smem:$0x3FC0] =	sst s2  }
0x8f: {  	_ = 	snop  }
0x90: {  	s2 =	sld [smem:$0x3FD0];
	(tm) =	ssettm $0x1  }
0x91: {  	s18 =	sld [smem:$0x3FFB];
	_ =	sdelay $0x3  }
0x92: {  	_ =	strace s18  }
0x93: {  	s3 =	sld [smem:$0x3FFC];
	_ =	sdelay $0x3  }
0x94: {  	_ =	strace s3  }
0x95: {  	s3 =	sld [smem:$0x3FFD];
	_ =	sdelay $0x3  }
0x96: {  	_ =	strace s3  }
0x97: {  	_ =	strace $0x8FFFFFFF  }
0x98: {  	s19 =	sld [smem:$0x3FDB];
	_ =	sdelay $0x1  }
0x99: {  	s4 =	simm.s32 $_scs_section_size  }
0x9a: {  	s5 =	simm.s32 $_size__tile_overlayer_lowered;
	s6 =	simm.s32 $_tile_overlayer_lowered  }
0x9b: {  	s22 =	simm.s32 $0x1BFF;
	s21 =	sshll.u32 s6, $0x1;
	s3 =	sadd.s32 s4, s19  }
0x9c: {  	s7 =	simm.s32 $0x0;
	s20 =	sshll.u32 s5, $0x1;
	s5 =	sadd.s32 s21, s3  }
0x9d: {  	[timem:s7], [sflag:s22] =	dma.local [hbm:s5], s20  }
0x9e: {  	_ =	swait.ge [sflag:s22], s20  }
0x9f: {  	s4 =	ssub.s32 $0x0, s20;
	[sflag:s22] =	ssyncset.done $0x0  }
0xa0: {  	[sflag:s22] =	ssyncadd.s32 s4;
	_ =	sdelay $0x1  }
0xa1: {  	s23 =	simm.s32 $0x1B8B  }
0xa2: {  	_ =	swait.ge [sflag:s23], $0x1  }
0xa3: {  	[sflag:s23] =	ssyncset.done $0x0  }
0xa4: {  	s25 =	simm.s32 $0x1B8E;
	s24 =	sld [smem:$0x3FFE];
	[sflag:s23] =	ssyncadd.s32 $0xFFFFFFFF  }
0xa5: {  	s26 =	simm.s32 $execute0_lowered;
	[smem:$0x3FD2] =	sst s25  }
0xa6: {  	s5 =	sshll.u32 s26, $0x1;
	_ =	strace $0x80000049;
	[dreg:$0x1] =	wrdreg $0xFFFFFFFF  }
0xa7: {  	s28 =	simm.s32 $_size_execute0_lowered;
	s3 =	sadd.s32 s3, s5;
	[dreg:$0x0] =	wrdreg $0x0  }
0xa8: {  	s5 =	sshll.u32 s28, $0x1;
	[dreg:$0x2] =	wrdreg s3  }
0xa9: {  	[dreg:$0x3] =	wrdreg s5  }
0xaa: {  	[dreg:$0x4] =	wrdreg $0xC0  }
0xab: {  	_ =	task [dreg:s7], $0x5FFFF  }
0xac: {  	[dreg:$0x1] =	wrdreg $0xFFFFFFFF  }
0xad: {  	[dreg:$0x0] =	wrdreg $0x60  }
0xae: {  	[dreg:$0x2] =	wrdreg s2  }
0xaf: {  	[dreg:$0x3] =	wrdreg s24  }
0xb0: {  	[dreg:$0x4] =	wrdreg $0xB5400  }
0xb1: {  	[dreg:$0x5] =	wrdreg $0x153400  }
0xb2: {  	[dreg:$0x6] =	wrdreg $0x9  }
0xb3: {  	_ =	task.clear_ibuf [dreg:s7], $0x7FFFF;
	_ =	strace $0x90000049  }
0xb4: {  	s29 =	simm.s32 $0x9;
	_ =	strace $0x8000004B  }
0xb5: {  	_ =	swait.ge [sflag:s29], $0x1  }
0xb6: {  	[sflag:s29] =	ssyncadd.s32 $0xFFFFFFFF  }
0xb7: {  	_ =	strace $0x9000004B  }
0xb8: {  	_ =	sfence  }
0xb9: {  	s30 =	sld [smem:$0x0];
	_ =	sdelay $0x2  }
0xba: {  	s31 =	sshll.u32 s1, $0xD;
	s1 =	sshrl.u32 s1, $0x2  }
0xbb: {  	s3 =	sand.u32 $0x4000, s31;
	s1 =	sadd.s32 s1, s30  }
0xbc: {  	s0 =	sor.u32 s3, s0;
	s1 =	sshll.u32 s1, $0x11  }
0xbd: {  	s0 =	sor.u32 s1, s0  }
0xbe: {  	s0 =	sadd.s32 $0x8F2B, s0  }
0xbf: {  	[sflag:s0] =	ssyncadd.remote.s32 $0x1  }
0xc0: {  	_ =	sfence.sel $0xFFFF  }
0xc1: {  	[dreg:$0x0] =	wrdreg $0xFFFFFFFF;
	(pc) =	sbr.abs _section_cstart, $3  }
0xc2: {  	[dreg:$0x1] =	wrdreg $0xFFFFFFFF  }
0xc3: {  	_ =	task.clear_ibuf [dreg:s7], $0x2FFFF;
	_ =	strace $0x9FFFFFFF  }
0xc4: {  	(tm) =	ssettm $0x7FFFFFFF  }
0xc5: {  	_ =	shalt  }
tec
execute0_lowered:
.L_overlay_start_1:
0x0: {  	(tag) =	ssettag $0x1  }
0x1: {  	s11 =	rddreg [dreg:$0x0]  }
0x2: {  	s6 =	rddreg [dreg:$0x1]  }
0x3: {  	s2 =	rddreg [dreg:$0x2]  }
0x4: {  	s3 =	rddreg [dreg:$0x3]  }
0x5: {  	s1 =	stileid.u32;
	s0 =	rddreg [dreg:$0x4];
	s4 =	simm.s32 $0x0  }
0x6: {  	s8 =	srdreg.scid;
	s19 =	simm.s32 $0x4E20;
	s5 =	smul.u32 $0x9C4, s1  }
0x7: {  	s20 =	simm.s32 $0x50;
	s21 =	simm.s32 $0x9C40;
	s7 =	smul.u32 $0x9E00, s1  }
0x8: {  	s22 =	simm.s32 $0x0;
	s9 =	smul.u32 $0x2780, s1;
	s8 =	sand.u32 $0x1, s8  }
0x9: {  	[smem:$0x7FF] =	sst s4;
	s30 =	sshll.u32 s1, $0x6;
	s12 =	smul.u32 $0x9E000, s8  }
0xa: {  	_ =	strace $0x8000004A;
	s14 =	smul.u32 $0x27800, s8;
	s16 =	ssub.s32 $0x2, s8  }
0xb: {  	s31 =	smul.u32 $0x13880, s8;
	s10 =	sadd.s32 s5, s6;
	s28 =	sshrl.u32 s7, $0x3  }
0xc: {  	s13 =	sshrl.u32 s9, $0x3;
	s5 =	sadd.s32 $0x7C600, s6;
	s17 =	sshrl.u32 s16, $0x1  }
0xd: {  	s29 =	sadd.s32 s7, s2;
	s18 =	sadd.s32 s9, s3;
	s15 =	sadd.s32 s28, s6  }
0xe: {  	s13 =	sadd.s32 s13, s6;
	s12 =	sadd.s32 s7, s12;
	s14 =	sadd.s32 s9, s14  }
0xf: {  	s16 =	ssub.s32 s16, s17;
	s7 =	sor.u32 $0x1C01, s30;
	s9 =	sadd.s32 $0x59C00, s10  }
0x10: {  	s10 =	sadd.s32 $0x4FE00, s10;
	s11 =	sadd.s32 s11, s31;
	s17 =	sshrl.u32 s18, $0x3  }
0x11: {  	s18 =	simm.s32 $0xB040;
	s12 =	sshrl.u32 s12, $0x3;
	s14 =	sshrl.u32 s14, $0x3  }
0x12: {  	s8 =	sadd.s32 $0x77600, s13;
	s12 =	sadd.s32 s12, s6;
	s14 =	sadd.s32 s14, s6  }
0x13: {  	s6 =	sadd.s32 $0x63A00, s15;
	s15 =	sshrl.u32 s29, $0x3;
	s12 =	sadd.s32 $0xBA00, s12  }
0x14: {  	s13 =	sadd.s32 $0x1C00, s14;
	s14 =	smax.u32 s16, $0x1;
	s16 =	simm.s32 $0x1  }
.LBB2_1:
0x15: {  	[spmem:s15], [sflag:s7] =	dma.local [hbm:s6], $0x13C0  }
0x16: {  	_ =	swait.ge [sflag:s16], $0x13C0  }
0x17: {  	[sflag:s16] =	ssyncset.done $0x0  }
0x18: {  	[sflag:s16] =	ssyncadd.s32 $0xFFFFEC40  }
0x19: {  	[spmem:s17], [sflag:s7] =	dma.local [hbm:s8], $0x4F0  }
0x1a: {  	_ =	swait.ge [sflag:s16], $0x4F0  }
0x1b: {  	[sflag:s16] =	ssyncset.done $0x0  }
0x1c: {  	[sflag:s16] =	ssyncadd.s32 $0xFFFFFB10  }
0x1d: {  	[tilespmem:s18], [sflag:$0x1] =	stream.linear.gather [hbm4b:s5+s4], $0x500, $0x38;
	[tilespmem:$0x17AC0] =	vst v63  }
0x1e: {  	_ =	swait.ge [sflag:s16], $0x500  }
0x1f: {  	[sflag:s16] =	ssyncset.done $0x0  }
0x20: {  	[sflag:s16] =	ssyncadd.s32 $0xFFFFFB00  }
0x21: {  	[tilespmem:s4], [sflag:$0x1] =	stream.linear.gather [hbm4b:s9+s4], $0x4E20, $0x38;
	[tilespmem:$0x17AC0] =	vst v63  }
0x22: {  	_ =	swait.ge [sflag:s16], $0x4E20  }
0x23: {  	[sflag:s16] =	ssyncset.done $0x0  }
0x24: {  	[sflag:s16] =	ssyncadd.s32 $0xFFFFB1E0  }
0x25: {  	[tilespmem:s19], [sflag:$0x1] =	stream.linear.gather [hbm4b:s10+s4], $0x4E20, $0x38;
	[tilespmem:$0x17AC0] =	vst v63  }
0x26: {  	_ =	swait.ge [sflag:s16], $0x4E20  }
0x27: {  	[sflag:s16] =	ssyncset.done $0x0  }
0x28: {  	[sflag:s16] =	ssyncadd.s32 $0xFFFFB1E0  }
0x29: {  	s23 =	simm.s32 $0x0;
	[bflag:$0x0] =	sbarrier.arrive $0xFFFF  }
0x2a: {  	[tilespmem:s21], [sflag:$0x1] =	stream.indirect.gather [hbm4b:s11+s20], $0x40, s23, s20, $0xb8;
	[tilespmem:$0x17AC0] =	vst v63  }
0x2b: {  	_ =	swait.ge [sflag:s16], $0x1400  }
0x2c: {  	[sflag:s16] =	ssyncset.done $0x0  }
0x2d: {  	s31 =	simm.s32 $0x4E20;
	[sflag:s16] =	ssyncadd.s32 $0xFFFFEC00  }
0x2e: {  	[spmem:s2] =	stream.indirect.scatter.add.f32 [tilespmem:s21], [sflag:$0x1], $0x40, s31, s20, $0xb8;
	[tilespmem:$0x17AC0] =	vst v63  }
0x2f: {  	_ =	swait.ge [sflag:s16], $0x1400  }
0x30: {  	[sflag:s16] =	ssyncset.done $0x0  }
0x31: {  	[sflag:s16] =	ssyncadd.s32 $0xFFFFEC00  }
0x32: {  	[spmem:s3] =	stream.indirect.scatter.add.f32 [tilespmem:s18], [sflag:$0x1], $0x10, s31, s20, $0xb8;
	[tilespmem:$0x17AC0] =	vst v63  }
0x33: {  	_ =	swait.ge [sflag:s16], $0x500  }
0x34: {  	s24 =	simm.s32 $0x280;
	s23 =	simm.s32 $0x140;
	[sflag:s16] =	ssyncset.done $0x0  }
.LBB2_2:
0x35: {  	s25 =	sshra.s32 s23, $0x2  }
0x36: {  	[sflag:s16] =	ssyncadd.s32 $0xFFFFFB00;
	s23 =	smov.u32 s24;
	s26 =	sadd.s32 $0x140, s24  }
0x37: {  	[tilespmem:s21], [sflag:$0x1] =	stream.indirect.gather [hbm4b:s11+s20], $0x40, s25, s20, $0xb8;
	[tilespmem:$0x17AC0] =	vst v63  }
0x38: {  	p0 =	sne.s32 s24, $0x13740;
	_ =	swait.ge [sflag:s16], $0x1400  }
0x39: {  	[sflag:s16] =	ssyncset.done $0x0  }
0x3a: {  	s24 =	sadd.s32 $0x4E20, s25;
	[sflag:s16] =	ssyncadd.s32 $0xFFFFEC00  }
0x3b: {  	[spmem:s2] =	stream.indirect.scatter.add.f32 [tilespmem:s21], [sflag:$0x1], $0x40, s24, s20, $0xb8;
	[tilespmem:$0x17AC0] =	vst v63  }
0x3c: {  	_ =	swait.ge [sflag:s16], $0x1400  }
.Ltmp0:
0x3d: {  	[sflag:s16] =	ssyncset.done $0x0;
	(pc) =	sbr.rel @p0 .LBB2_2-.Ltmp0, $4  }
0x3e: {  	[sflag:s16] =	ssyncadd.s32 $0xFFFFEC00  }
0x3f: {  	[spmem:s3] =	stream.indirect.scatter.add.f32 [tilespmem:s18], [sflag:$0x1], $0x10, s24, s20, $0xb8;
	[tilespmem:$0x17AC0] =	vst v63  }
0x40: {  	_ =	swait.ge [sflag:s16], $0x500  }
0x41: {  	s24 =	smov.u32 s26;
	[sflag:s16] =	ssyncset.done $0x0  }
0x42: {  	s23 =	sshra.s32 s23, $0x2;
	[sflag:s16] =	ssyncadd.s32 $0xFFFFFB00  }
0x43: {  	[tilespmem:s21], [sflag:$0x1] =	stream.indirect.gather [hbm4b:s11+s20], $0x40, s23, s20, $0xb8;
	[tilespmem:$0x17AC0] =	vst v63  }
0x44: {  	_ =	swait.ge [sflag:s16], $0x1400  }
0x45: {  	[sflag:s16] =	ssyncset.done $0x0  }
0x46: {  	s23 =	sadd.s32 $0x4E20, s23;
	[sflag:s16] =	ssyncadd.s32 $0xFFFFEC00  }
0x47: {  	[spmem:s2] =	stream.indirect.scatter.add.f32 [tilespmem:s21], [sflag:$0x1], $0x40, s23, s20, $0xb8;
	[tilespmem:$0x17AC0] =	vst v63  }
0x48: {  	_ =	swait.ge [sflag:s16], $0x1400  }
0x49: {  	[sflag:s16] =	ssyncset.done $0x0  }
0x4a: {  	[sflag:s16] =	ssyncadd.s32 $0xFFFFEC00  }
0x4b: {  	[spmem:s3] =	stream.indirect.scatter.add.f32 [tilespmem:s18], [sflag:$0x1], $0x10, s23, s20, $0xb8;
	[tilespmem:$0x17AC0] =	vst v63  }
0x4c: {  	_ =	swait.ge [sflag:s16], $0x500  }
0x4d: {  	[sflag:s16] =	ssyncset.done $0x0  }
0x4e: {  	[sflag:s16] =	ssyncadd.s32 $0xFFFFFB00  }
0x4f: {  	[bflag:$0x0] =	sbarrier.arrive $0xFFFF  }
0x50: {  	[hbm:s12], [sflag:s7] =	dma.local [spmem:s15], $0x13C0  }
0x51: {  	s22 =	sadd.s32 $0x1, s22;
	_ =	swait.ge [sflag:s16], $0x13C0  }
0x52: {  	p0 =	sne.s32 s22, s14;
	[sflag:s16] =	ssyncset.done $0x0  }
.Ltmp1:
0x53: {  	[sflag:s16] =	ssyncadd.s32 $0xFFFFEC40;
	(pc) =	sbr.rel @p0 .LBB2_1-.Ltmp1, $4  }
0x54: {  	[hbm:s13], [sflag:s7] =	dma.local [spmem:s17], $0x4F0  }
0x55: {  	_ =	swait.ge [sflag:s16], $0x4F0  }
0x56: {  	[sflag:s16] =	ssyncset.done $0x0  }
0x57: {  	[sflag:s16] =	ssyncadd.s32 $0xFFFFFB10  }
0x58: {  	_ =	sfence.sel $0x180000  }
0x59: {  	[bflag:$0x0] =	sbarrier.arrive $0xFFFF  }
0x5a: {  	p0 =	sne.s32 s1, $0x0;
	_ =	strace $0x9000004A  }
0x5b: {  	s0 =	sadd.s32 @!p0 $0x100000, s0;
	[bflag:$0x2] =	sbarrier.arrive $0xFFFF  }
0x5c: {  	[sflag:s0] =	ssyncadd.tile.s32 @!p0 $0x1;
	_ =	shalt  }
.Lfunc_end2:
_tile_overlayer_lowered:
.L_overlay_start_2:
0x5d: {  	(tag) =	ssettag $0x2  }
0x5e: {  	s0 =	rddreg [dreg:$0x0];
	s2 =	stileid.u32  }
0x5f: {  	s1 =	rddreg [dreg:$0x1];
	p0 =	sne.s32 s2, $0x0  }
0x60: {  	s3 =	rddreg [dreg:$0x2];
	[bflag:$0x3] =	sbarrier.arrive $0xFFFF;
	s2 =	simm.s32 @!p0 $0x1C01  }
0x61: {  	[timem:s3], [sflag:s2] =	dma.local @!p0 [hbm:s0], s1  }
0x62: {  	s0 =	simm.s32 @!p0 $0x1  }
0x63: {  	_ =	swait.ge @!p0 [sflag:s0], s1  }
0x64: {  	s1 =	ssub.s32 @!p0 $0x0, s1;
	[sflag:s0] =	ssyncset.done @!p0 $0x0  }
0x65: {  	[sflag:s0] =	ssyncadd.s32 @!p0 s1  }
0x66: {  	[bflag:$0x3] =	sbarrier.arrive $0xFFFF  }
0x67: {  	_ =	shalt  }

</sc_bundles>
